<compile_context>
chip_gen: v7x
topology: tpu7x:2x2x1
jax: 0.10.2.dev20260603
libtpu: 0.0.44.dev20260713+nightly
codegen_flags: <defaults>
</compile_context>

<pallas_src>
import functools

import jax
import jax.numpy as jnp
import numpy as np
from jax import lax
from jax.experimental import pallas as pl
from jax.experimental.pallas import tpu as pltpu
from jax.experimental.pallas import tpu_sc as plsc

N_NODES = 10000
N_ANGLES = 320000
SCALAR_DIM = 128
HIDDEN = 64

NC = 2
NS = 16
NW = NC * NS
IDXW = 128
RPW = 80
PAD_A = NW * RPW * IDXW
ROWS = PAD_A // IDXW
NT = 10240
STRIPE = NT // NS
CH = 512
STEPS = RPW // 4
HIDHALF = HIDDEN // 2

f32 = jnp.float32
bf16 = jnp.bfloat16


def _k2_body(ea_ref, eb_ref, at_ref, w1a_ref, w1b_ref, w1c_ref, b1_ref,
             w2_ref, b2_ref, ha_ref, hb_ref):
    e = (jnp.dot(ea_ref[...], w1a_ref[...], preferred_element_type=f32)
         + jnp.dot(eb_ref[...], w1b_ref[...], preferred_element_type=f32))
    h1 = (e + jnp.dot(at_ref[...], w1c_ref[...], preferred_element_type=f32)
          + b1_ref[...])
    h1 = h1 * jax.nn.sigmoid(h1)
    h2 = jnp.dot(h1, w2_ref[...], preferred_element_type=f32) + b2_ref[...]
    h2 = h2 * jax.nn.sigmoid(h2)
    ha_ref[...] = h2[:, 0:HIDHALF]
    hb_ref[...] = h2[:, HIDHALF:HIDDEN]


def _k3_body(s0a_ref, s1a_ref, s0b_ref, s1b_ref, c0_ref, c1_ref,
             w3a_ref, w3b_ref, b3_ref, wo_ref, o_ref):
    cnt = c0_ref[...][:, 0:1] + c1_ref[...][:, 0:1]
    recip = 1.0 / jnp.maximum(cnt, 1.0)
    mean_a = (s0a_ref[...] + s1a_ref[...]) * recip
    mean_b = (s0b_ref[...] + s1b_ref[...]) * recip
    pre = (jnp.dot(mean_a, w3a_ref[...], preferred_element_type=f32)
           + jnp.dot(mean_b, w3b_ref[...], preferred_element_type=f32)
           + b3_ref[...])
    pre = jnp.where(cnt > 0.5, pre, 0.0)
    o_ref[...] = jnp.dot(pre, wo_ref[...],
                         preferred_element_type=f32) * (1.0 / np.sqrt(128.0))


_MESH = plsc.VectorSubcoreMesh(core_axis_name="c", subcore_axis_name="s")


S1B = 256
S1R = S1B // IDXW
S1_STEPS = RPW // S1R


@functools.partial(
    pl.kernel,
    out_type=(jax.ShapeDtypeStruct((PAD_A, SCALAR_DIM), bf16),
              jax.ShapeDtypeStruct((PAD_A, SCALAR_DIM), bf16)),
    mesh=_MESH,
    scratch_types=[
        pltpu.VMEM((RPW, IDXW), jnp.int32),
        pltpu.VMEM((RPW, IDXW), jnp.int32),
        pltpu.VMEM((2 * S1B, SCALAR_DIM), bf16),
        pltpu.VMEM((2 * S1B, SCALAR_DIM), bf16),
        pltpu.SemaphoreType.DMA,
        pltpu.SemaphoreType.DMA,
        pltpu.SemaphoreType.DMA,
    ],
    compiler_params=pltpu.CompilerParams(use_tc_tiling_on_sc=False),
)
def _s1_gather(xb_hbm, i2_hbm, k2_hbm, ea_hbm, eb_hbm,
               ii_v, kk_v, ba, bb, sa, sb, so):
    wid = lax.axis_index("s") * NC + lax.axis_index("c")
    r0 = wid * RPW
    pltpu.sync_copy(i2_hbm.at[pl.ds(r0, RPW)], ii_v)
    pltpu.sync_copy(k2_hbm.at[pl.ds(r0, RPW)], kk_v)

    def step(g, carry):
        half = (g % 2) * S1B

        @pl.when(g >= 2)
        def _():
            pltpu.make_async_copy(ba.at[pl.ds(half, S1B)],
                                  ea_hbm.at[pl.ds(0, S1B)], so).wait()
            pltpu.make_async_copy(bb.at[pl.ds(half, S1B)],
                                  eb_hbm.at[pl.ds(0, S1B)], so).wait()

        handles = []
        for s in range(S1R):
            r = g * S1R + s
            handles.append(pltpu.async_copy(
                xb_hbm.at[ii_v.at[r]],
                ba.at[pl.ds(half + s * IDXW, IDXW)], sa))
            handles.append(pltpu.async_copy(
                xb_hbm.at[kk_v.at[r]],
                bb.at[pl.ds(half + s * IDXW, IDXW)], sb))
        for h in handles:
            h.wait()
        base = (r0 + g * S1R) * IDXW
        pltpu.async_copy(ba.at[pl.ds(half, S1B)],
                         ea_hbm.at[pl.ds(base, S1B)], so)
        pltpu.async_copy(bb.at[pl.ds(half, S1B)],
                         eb_hbm.at[pl.ds(base, S1B)], so)
        return carry

    lax.fori_loop(0, S1_STEPS, step, 0)
    for off in (0, S1B):
        pltpu.make_async_copy(ba.at[pl.ds(off, S1B)],
                              ea_hbm.at[pl.ds(0, S1B)], so).wait()
        pltpu.make_async_copy(bb.at[pl.ds(off, S1B)],
                              eb_hbm.at[pl.ds(0, S1B)], so).wait()


@functools.partial(
    pl.kernel,
    out_type=(pltpu.HBM((NT, HIDHALF), f32),
              pltpu.HBM((NT, HIDHALF), f32),
              pltpu.HBM((NT, HIDHALF), f32),
              pltpu.HBM((NT, HIDHALF), f32),
              pltpu.HBM((NT, 16), f32),
              pltpu.HBM((NT, 16), f32)),
    mesh=_MESH,
    scratch_types=[
        pltpu.VMEM((RPW, IDXW), jnp.int32),
        pltpu.VMEM((2 * CH, HIDHALF), f32),
        pltpu.VMEM((IDXW, 16), f32),
        pltpu.VMEM((STRIPE, HIDHALF), f32),
        pltpu.VMEM((STRIPE, 16), f32),
        pltpu.VMEM_SHARED((NT, HIDHALF), f32),
        pltpu.VMEM_SHARED((NT, 16), f32),
        pltpu.SemaphoreType.DMA,
    ],
    compiler_params=pltpu.CompilerParams(use_tc_tiling_on_sc=False),
)
def _s2_scatter(j2_hbm, ha_hbm, hb_hbm, s0a_hbm, s1a_hbm, s0b_hbm, s1b_hbm,
                c0_hbm, c1_hbm, jv, hb, ones_v, zs, zc, ssum, scnt, sl):
    cid = lax.axis_index("c")
    sid = lax.axis_index("s")
    wid = sid * NC + cid
    r0 = wid * RPW
    nr0 = sid * STRIPE
    pltpu.sync_copy(j2_hbm.at[pl.ds(r0, RPW)], jv)

    def zfill(t, carry):
        for q in range(HIDHALF // 16):
            zs[t, pl.ds(q * 16, 16)] = jnp.zeros((16,), f32)
        zc[t] = jnp.zeros((16,), f32)
        return carry

    def ofill(t, carry):
        ones_v[t] = jnp.ones((16,), f32)
        return carry

    lax.fori_loop(0, STRIPE, zfill, 0)
    lax.fori_loop(0, IDXW, ofill, 0)
    pltpu.sync_copy(zs, ssum.at[pl.ds(nr0, STRIPE)])
    pltpu.sync_copy(zc, scnt.at[pl.ds(nr0, STRIPE)])
    plsc.subcore_barrier()

    pltpu.async_copy(ha_hbm.at[pl.ds(r0 * IDXW, CH)], hb.at[pl.ds(0, CH)], sl)

    def step_a(g, carry):
        half = (g % 2) * CH
        pltpu.make_async_copy(ha_hbm.at[pl.ds(0, CH)],
                              hb.at[pl.ds(half, CH)], sl).wait()

        @pl.when(g + 1 < STEPS)
        def _():
            nxt = ((g + 1) % 2) * CH
            pltpu.async_copy(ha_hbm.at[pl.ds((r0 + (g + 1) * 4) * IDXW, CH)],
                             hb.at[pl.ds(nxt, CH)], sl)

        for s in range(4):
            r = g * 4 + s
            pltpu.sync_copy(hb.at[pl.ds(half + s * IDXW, IDXW)],
                            ssum.at[jv.at[r]], add=True)
            pltpu.sync_copy(ones_v, scnt.at[jv.at[r]], add=True)
        return carry

    lax.fori_loop(0, STEPS, step_a, 0)
    plsc.subcore_barrier()

    pltpu.sync_copy(scnt.at[pl.ds(nr0, STRIPE)], zc)

    @pl.when(cid == 0)
    def _():
        pltpu.sync_copy(zc, c0_hbm.at[pl.ds(nr0, STRIPE)])

    @pl.when(cid == 1)
    def _():
        pltpu.sync_copy(zc, c1_hbm.at[pl.ds(nr0, STRIPE)])

    pltpu.sync_copy(ssum.at[pl.ds(nr0, STRIPE)], zs)

    @pl.when(cid == 0)
    def _():
        pltpu.sync_copy(zs, s0a_hbm.at[pl.ds(nr0, STRIPE)])

    @pl.when(cid == 1)
    def _():
        pltpu.sync_copy(zs, s1a_hbm.at[pl.ds(nr0, STRIPE)])

    def zfill2(t, carry):
        for q in range(HIDHALF // 16):
            zs[t, pl.ds(q * 16, 16)] = jnp.zeros((16,), f32)
        return carry

    lax.fori_loop(0, STRIPE, zfill2, 0)
    pltpu.sync_copy(zs, ssum.at[pl.ds(nr0, STRIPE)])
    plsc.subcore_barrier()

    pltpu.async_copy(hb_hbm.at[pl.ds(r0 * IDXW, CH)], hb.at[pl.ds(0, CH)], sl)

    def step_b(g, carry):
        half = (g % 2) * CH
        pltpu.make_async_copy(hb_hbm.at[pl.ds(0, CH)],
                              hb.at[pl.ds(half, CH)], sl).wait()

        @pl.when(g + 1 < STEPS)
        def _():
            nxt = ((g + 1) % 2) * CH
            pltpu.async_copy(hb_hbm.at[pl.ds((r0 + (g + 1) * 4) * IDXW, CH)],
                             hb.at[pl.ds(nxt, CH)], sl)

        for s in range(4):
            r = g * 4 + s
            pltpu.sync_copy(hb.at[pl.ds(half + s * IDXW, IDXW)],
                            ssum.at[jv.at[r]], add=True)
        return carry

    lax.fori_loop(0, STEPS, step_b, 0)
    plsc.subcore_barrier()

    pltpu.sync_copy(ssum.at[pl.ds(nr0, STRIPE)], zs)

    @pl.when(cid == 0)
    def _():
        pltpu.sync_copy(zs, s0b_hbm.at[pl.ds(nr0, STRIPE)])

    @pl.when(cid == 1)
    def _():
        pltpu.sync_copy(zs, s1b_hbm.at[pl.ds(nr0, STRIPE)])


def kernel(x, triple_index, triple_attr, W1, b1, W2, b2, W3, b3, Wout):
    i_idx = triple_index[0]
    j_idx = triple_index[1]
    k_idx = triple_index[2]
    pad = PAD_A - N_ANGLES
    i2 = jnp.concatenate([i_idx, jnp.zeros((pad,), jnp.int32)]).reshape(ROWS, IDXW)
    k2 = jnp.concatenate([k_idx, jnp.zeros((pad,), jnp.int32)]).reshape(ROWS, IDXW)
    j2 = jnp.concatenate(
        [j_idx, jnp.full((pad,), N_NODES, jnp.int32)]).reshape(ROWS, IDXW)
    attr_p = jnp.concatenate([triple_attr, jnp.zeros((pad, 2), f32)])

    W1a = W1[0:SCALAR_DIM]
    W1b = W1[SCALAR_DIM:2 * SCALAR_DIM]
    W1c = W1[2 * SCALAR_DIM:]
    b1r = b1.reshape(1, HIDDEN)
    b2r = b2.reshape(1, HIDDEN)
    b3r = b3.reshape(1, SCALAR_DIM)

    xb = x.astype(bf16)
    ea, eb = _s1_gather(xb, i2, k2)

    W1ab = W1a.astype(bf16)
    W1bb = W1b.astype(bf16)
    BK2 = 1024
    h2a, h2b = pl.pallas_call(
        _k2_body,
        grid=(PAD_A // BK2,),
        in_specs=[
            pl.BlockSpec((BK2, SCALAR_DIM), lambda m: (m, 0)),
            pl.BlockSpec((BK2, SCALAR_DIM), lambda m: (m, 0)),
            pl.BlockSpec((BK2, 2), lambda m: (m, 0)),
            pl.BlockSpec((SCALAR_DIM, HIDDEN), lambda m: (0, 0)),
            pl.BlockSpec((SCALAR_DIM, HIDDEN), lambda m: (0, 0)),
            pl.BlockSpec((2, HIDDEN), lambda m: (0, 0)),
            pl.BlockSpec((1, HIDDEN), lambda m: (0, 0)),
            pl.BlockSpec((HIDDEN, HIDDEN), lambda m: (0, 0)),
            pl.BlockSpec((1, HIDDEN), lambda m: (0, 0)),
        ],
        out_specs=[
            pl.BlockSpec((BK2, HIDHALF), lambda m: (m, 0)),
            pl.BlockSpec((BK2, HIDHALF), lambda m: (m, 0)),
        ],
        out_shape=[
            jax.ShapeDtypeStruct((PAD_A, HIDHALF), f32),
            jax.ShapeDtypeStruct((PAD_A, HIDHALF), f32),
        ],
    )(ea, eb, attr_p, W1ab, W1bb, W1c, b1r, W2, b2r)

    s0a, s1a, s0b, s1b, c0, c1 = _s2_scatter(j2, h2a, h2b)

    BK3 = 1024
    out_p = pl.pallas_call(
        _k3_body,
        grid=(NT // BK3,),
        in_specs=[
            pl.BlockSpec((BK3, HIDHALF), lambda m: (m, 0)),
            pl.BlockSpec((BK3, HIDHALF), lambda m: (m, 0)),
            pl.BlockSpec((BK3, HIDHALF), lambda m: (m, 0)),
            pl.BlockSpec((BK3, HIDHALF), lambda m: (m, 0)),
            pl.BlockSpec((BK3, 16), lambda m: (m, 0)),
            pl.BlockSpec((BK3, 16), lambda m: (m, 0)),
            pl.BlockSpec((HIDHALF, SCALAR_DIM), lambda m: (0, 0)),
            pl.BlockSpec((HIDHALF, SCALAR_DIM), lambda m: (0, 0)),
            pl.BlockSpec((1, SCALAR_DIM), lambda m: (0, 0)),
            pl.BlockSpec((SCALAR_DIM, SCALAR_DIM), lambda m: (0, 0)),
        ],
        out_specs=pl.BlockSpec((BK3, SCALAR_DIM), lambda m: (m, 0)),
        out_shape=jax.ShapeDtypeStruct((NT, SCALAR_DIM), f32),
    )(s0a, s1a, s0b, s1b, c0, c1, W3[0:HIDHALF], W3[HIDHALF:HIDDEN], b3r, Wout)

    return out_p[:N_NODES]

# --- scband reference (transcript-rebuilt; emitter-appended) ---
"""Pipeline reference for scband-angle-message-passing-34093450396330 (READ-ONLY COPY).

The authoritative reference and input builder live on the scoring server;
editing this copy changes nothing except your own understanding.
"""

import jax, jax.numpy as jnp
import numpy as np

N_NODES = 10000
N_ANGLES = 320000
SCALAR_DIM = 128
HIDDEN = 64
ANGLE_ATTR_DIM = 2


def setup_inputs(seed: int = 0) -> dict:
    key = jax.random.key(seed)
    ks = jax.random.split(key, 12)
    x = jax.random.normal(ks[0], (N_NODES, SCALAR_DIM), dtype=jnp.float32)
    triple_index = jax.random.randint(ks[1], (3, N_ANGLES), 0, N_NODES, dtype=jnp.int32)
    triple_attr = jax.random.normal(ks[2], (N_ANGLES, ANGLE_ATTR_DIM), dtype=jnp.float32)
    # angle_mlp params: Linear(2*scalar+attr -> H), Linear(H -> H), Linear(H -> scalar)
    in1 = 2 * SCALAR_DIM + ANGLE_ATTR_DIM
    W1 = jax.random.normal(ks[3], (in1, HIDDEN), dtype=jnp.float32) / jnp.sqrt(in1)
    b1 = jnp.zeros((HIDDEN,), dtype=jnp.float32)
    W2 = jax.random.normal(ks[4], (HIDDEN, HIDDEN), dtype=jnp.float32) / jnp.sqrt(HIDDEN)
    b2 = jnp.zeros((HIDDEN,), dtype=jnp.float32)
    W3 = jax.random.normal(ks[5], (HIDDEN, SCALAR_DIM), dtype=jnp.float32) / jnp.sqrt(HIDDEN)
    b3 = jnp.zeros((SCALAR_DIM,), dtype=jnp.float32)
    # o3.Linear on scalar irreps == linear (no bias) with 1/sqrt(fan_in) path normalization
    Wout = jax.random.normal(ks[6], (SCALAR_DIM, SCALAR_DIM), dtype=jnp.float32)
    return {"x": x, "triple_index": triple_index, "triple_attr": triple_attr,
            "W1": W1, "b1": b1, "W2": W2, "b2": b2, "W3": W3, "b3": b3, "Wout": Wout}


def reference(x, triple_index, triple_attr, W1, b1, W2, b2, W3, b3, Wout):
    x_scalar = x[:, :SCALAR_DIM]
    i = triple_index[0]
    j = triple_index[1]
    k = triple_index[2]
    x_i = jnp.take(x_scalar, i, axis=0)
    x_k = jnp.take(x_scalar, k, axis=0)
    angle_input = jnp.concatenate([x_i, x_k, triple_attr], axis=-1)
    h = jax.nn.silu(angle_input @ W1 + b1)
    h = jax.nn.silu(h @ W2 + b2)
    angle_messages = h @ W3 + b3
    num_nodes = x.shape[0]
    sums = jax.ops.segment_sum(angle_messages, j, num_segments=num_nodes)
    counts = jax.ops.segment_sum(jnp.ones((angle_messages.shape[0],), dtype=angle_messages.dtype), j, num_segments=num_nodes)
    angle_aggr = sums / jnp.maximum(counts, 1.0)[:, None]
    # e3nn o3.Linear on 128x0e -> 128x0e: weight normalized by sqrt(fan_in)
    output = (angle_aggr @ Wout) / jnp.sqrt(float(SCALAR_DIM))
    return output

if __name__ == "__main__":
    import jax
    _d = setup_inputs()
    print(jax.jit(kernel)(*tuple(_d.values())))

</pallas_src>

<mosaic_0001>
#map = affine_map<(d0, d1) -> (0, 0)>
module attributes {stable_mosaic.version = 14 : i64} {
  func.func @_s1_gather(%arg0: i32, %arg1: i32, %arg2: memref<10000x128xbf16, #tpu.memory_space<hbm>>, %arg3: memref<2560x128xi32, #tpu.memory_space<hbm>>, %arg4: memref<2560x128xi32, #tpu.memory_space<hbm>>, %arg5: memref<327680x128xbf16, #tpu.memory_space<hbm>>, %arg6: memref<327680x128xbf16, #tpu.memory_space<hbm>>, %arg7: memref<80x128xi32, #tpu.memory_space<vmem>>, %arg8: memref<80x128xi32, #tpu.memory_space<vmem>>, %arg9: memref<512x128xbf16, #tpu.memory_space<vmem>>, %arg10: memref<512x128xbf16, #tpu.memory_space<vmem>>, %arg11: memref<!tpu.dma_semaphore, #tpu.memory_space<semaphore_mem>>, %arg12: memref<!tpu.dma_semaphore, #tpu.memory_space<semaphore_mem>>, %arg13: memref<!tpu.dma_semaphore, #tpu.memory_space<semaphore_mem>>) attributes {dimension_semantics = [#tpu.dimension_semantics<core_parallel>, #tpu.dimension_semantics<subcore_parallel>], iteration_bounds = array<i64: 2, 16>, scalar_prefetch = 0 : i64, scratch_operands = 7 : i64, tpu.core_type = #tpu.core_type<sc_vector_subcore>, window_params = [{transform_indices = #map}, {transform_indices = #map}, {transform_indices = #map}, {transform_indices = #map}, {transform_indices = #map}]} {
    %mul3A = arith.constant 2 : i32
    %mul3A_0 = arith.muli %arg1, %mul3A : i32
    %add3A = arith.addi %mul3A_0, %arg0 : i32
    %mul3A_1 = arith.constant 80 : i32
    %mul3A_2 = arith.muli %add3A, %mul3A_1 : i32
    "tpu.region"() ({
      %run_scoped3A = tpu.sem_alloc : memref<!tpu.dma_semaphore, #tpu.memory_space<semaphore_mem>>
      %dma_start3A = arith.constant 0 : i32
      %dma_start3A_55 = tpu.memref_slice %arg3[%mul3A_2, %dma_start3A] : memref<2560x128xi32, #tpu.memory_space<hbm>> -> memref<80x128xi32, #tpu.memory_space<hbm>>
      %dma_start3A_56 = arith.constant 0 : i32
      %dma_start3A_57 = tpu.memref_slice %arg3[%mul3A_2, %dma_start3A_56] : memref<2560x128xi32, #tpu.memory_space<hbm>> -> memref<80x128xi32, #tpu.memory_space<hbm>>
      tpu.enqueue_dma source(%dma_start3A_57 : memref<80x128xi32, #tpu.memory_space<hbm>>) target(%arg7 : memref<80x128xi32, #tpu.memory_space<vmem>>) target_semaphore(%run_scoped3A : memref<!tpu.dma_semaphore, #tpu.memory_space<semaphore_mem>>)
      %dma_wait3A_58 = arith.constant 0 : i32
      %dma_wait3A_59 = tpu.memref_slice %arg3[%mul3A_2, %dma_wait3A_58] : memref<2560x128xi32, #tpu.memory_space<hbm>> -> memref<80x128xi32, #tpu.memory_space<hbm>>
      %dma_wait3A_60 = arith.constant 0 : i32
      %dma_wait3A_61 = tpu.memref_slice %arg3[%mul3A_2, %dma_wait3A_60] : memref<2560x128xi32, #tpu.memory_space<hbm>> -> memref<80x128xi32, #tpu.memory_space<hbm>>
      tpu.wait_dma2 semaphore(%run_scoped3A : memref<!tpu.dma_semaphore, #tpu.memory_space<semaphore_mem>>) src(%dma_wait3A_61 : memref<80x128xi32, #tpu.memory_space<hbm>>) dst(%arg7 : memref<80x128xi32, #tpu.memory_space<vmem>>)
      tpu.yield
    }) : () -> ()
    "tpu.region"() ({
      %run_scoped3A = tpu.sem_alloc : memref<!tpu.dma_semaphore, #tpu.memory_space<semaphore_mem>>
      %dma_start3A = arith.constant 0 : i32
      %dma_start3A_55 = tpu.memref_slice %arg4[%mul3A_2, %dma_start3A] : memref<2560x128xi32, #tpu.memory_space<hbm>> -> memref<80x128xi32, #tpu.memory_space<hbm>>
      %dma_start3A_56 = arith.constant 0 : i32
      %dma_start3A_57 = tpu.memref_slice %arg4[%mul3A_2, %dma_start3A_56] : memref<2560x128xi32, #tpu.memory_space<hbm>> -> memref<80x128xi32, #tpu.memory_space<hbm>>
      tpu.enqueue_dma source(%dma_start3A_57 : memref<80x128xi32, #tpu.memory_space<hbm>>) target(%arg8 : memref<80x128xi32, #tpu.memory_space<vmem>>) target_semaphore(%run_scoped3A : memref<!tpu.dma_semaphore, #tpu.memory_space<semaphore_mem>>)
      %dma_wait3A_58 = arith.constant 0 : i32
      %dma_wait3A_59 = tpu.memref_slice %arg4[%mul3A_2, %dma_wait3A_58] : memref<2560x128xi32, #tpu.memory_space<hbm>> -> memref<80x128xi32, #tpu.memory_space<hbm>>
      %dma_wait3A_60 = arith.constant 0 : i32
      %dma_wait3A_61 = tpu.memref_slice %arg4[%mul3A_2, %dma_wait3A_60] : memref<2560x128xi32, #tpu.memory_space<hbm>> -> memref<80x128xi32, #tpu.memory_space<hbm>>
      tpu.wait_dma2 semaphore(%run_scoped3A : memref<!tpu.dma_semaphore, #tpu.memory_space<semaphore_mem>>) src(%dma_wait3A_61 : memref<80x128xi32, #tpu.memory_space<hbm>>) dst(%arg8 : memref<80x128xi32, #tpu.memory_space<vmem>>)
      tpu.yield
    }) : () -> ()
    %scan3A = arith.constant 0 : i32
    %scan3A_3 = arith.constant 0 : i32
    %scan3A_4 = arith.constant 40 : i32
    %scan3A_5 = arith.addi %scan3A_3, %scan3A_4 : i32
    %scan3A_6 = arith.constant 1 : i32
    scf.for %scan3A_55 = %scan3A_3 to %scan3A_5 step %scan3A_6  : i32 {
      %jit3A = arith.constant 2 : i32
      %eq3A = arith.constant 0 : i32
      %eq3A_56 = arith.cmpi eq, %jit3A, %eq3A : i32
      %jit3A_57 = arith.constant 1 : i32
      %select_n3A = arith.select %eq3A_56, %jit3A_57, %jit3A : i32
      %rem3A = arith.remsi %scan3A_55, %select_n3A : i32
      %ne3A = arith.constant 0 : i32
      %ne3A_58 = arith.cmpi ne, %rem3A, %ne3A : i32
      %lt3A = arith.constant 0 : i32
      %lt3A_59 = arith.cmpi slt, %rem3A, %lt3A : i32
      %lt3A_60 = arith.constant 0 : i32
      %lt3A_61 = arith.cmpi slt, %select_n3A, %lt3A_60 : i32
      %ne3A_62 = arith.xori %lt3A_59, %lt3A_61 : i1
      %and3A = arith.andi %ne3A_62, %ne3A_58 : i1
      %add3A_63 = arith.addi %rem3A, %select_n3A : i32
      %select_n3A_64 = arith.select %and3A, %add3A_63, %rem3A : i32
      %mul3A_65 = arith.constant 256 : i32
      %mul3A_66 = arith.muli %select_n3A_64, %mul3A_65 : i32
      %ge3A = arith.constant 2 : i32
      %ge3A_67 = arith.cmpi sge, %scan3A_55, %ge3A : i32
      %convert_element_type3A = arith.extui %ge3A_67 : i1 to i32
      %cond3A = arith.constant 0 : i32
      %cond3A_68 = arith.cmpi ne, %convert_element_type3A, %cond3A : i32
      scf.if %cond3A_68 {
        %dma_wait3A_169 = arith.constant 0 : i32
        %dma_wait3A_170 = tpu.memref_slice %arg9[%mul3A_66, %dma_wait3A_169] : memref<512x128xbf16, #tpu.memory_space<vmem>> -> memref<256x128xbf16, #tpu.memory_space<vmem>>
        %dma_wait3A_171 = arith.constant 0 : i32
        %dma_wait3A_172 = arith.constant 0 : i32
        %dma_wait3A_173 = tpu.memref_slice %arg5[%dma_wait3A_171, %dma_wait3A_172] : memref<327680x128xbf16, #tpu.memory_space<hbm>> -> memref<256x128xbf16, #tpu.memory_space<hbm>>
        %dma_wait3A_174 = arith.constant 0 : i32
        %dma_wait3A_175 = arith.constant 0 : i32
        %dma_wait3A_176 = tpu.memref_slice %arg5[%dma_wait3A_174, %dma_wait3A_175] : memref<327680x128xbf16, #tpu.memory_space<hbm>> -> memref<256x128xbf16, #tpu.memory_space<hbm>>
        %dma_wait3A_177 = arith.constant 0 : i32
        %dma_wait3A_178 = tpu.memref_slice %arg9[%mul3A_66, %dma_wait3A_177] : memref<512x128xbf16, #tpu.memory_space<vmem>> -> memref<256x128xbf16, #tpu.memory_space<vmem>>
        tpu.wait_dma2 semaphore(%arg13 : memref<!tpu.dma_semaphore, #tpu.memory_space<semaphore_mem>>) src(%dma_wait3A_178 : memref<256x128xbf16, #tpu.memory_space<vmem>>) dst(%dma_wait3A_176 : memref<256x128xbf16, #tpu.memory_space<hbm>>)
        %dma_wait3A_179 = arith.constant 0 : i32
        %dma_wait3A_180 = tpu.memref_slice %arg10[%mul3A_66, %dma_wait3A_179] : memref<512x128xbf16, #tpu.memory_space<vmem>> -> memref<256x128xbf16, #tpu.memory_space<vmem>>
        %dma_wait3A_181 = arith.constant 0 : i32
        %dma_wait3A_182 = arith.constant 0 : i32
        %dma_wait3A_183 = tpu.memref_slice %arg6[%dma_wait3A_181, %dma_wait3A_182] : memref<327680x128xbf16, #tpu.memory_space<hbm>> -> memref<256x128xbf16, #tpu.memory_space<hbm>>
        %dma_wait3A_184 = arith.constant 0 : i32
        %dma_wait3A_185 = arith.constant 0 : i32
        %dma_wait3A_186 = tpu.memref_slice %arg6[%dma_wait3A_184, %dma_wait3A_185] : memref<327680x128xbf16, #tpu.memory_space<hbm>> -> memref<256x128xbf16, #tpu.memory_space<hbm>>
        %dma_wait3A_187 = arith.constant 0 : i32
        %dma_wait3A_188 = tpu.memref_slice %arg10[%mul3A_66, %dma_wait3A_187] : memref<512x128xbf16, #tpu.memory_space<vmem>> -> memref<256x128xbf16, #tpu.memory_space<vmem>>
        tpu.wait_dma2 semaphore(%arg13 : memref<!tpu.dma_semaphore, #tpu.memory_space<semaphore_mem>>) src(%dma_wait3A_188 : memref<256x128xbf16, #tpu.memory_space<vmem>>) dst(%dma_wait3A_186 : memref<256x128xbf16, #tpu.memory_space<hbm>>)
      } else {
      }
      %mul3A_69 = arith.constant 2 : i32
      %mul3A_70 = arith.muli %scan3A_55, %mul3A_69 : i32
      %add3A_71 = arith.constant 0 : i32
      %add3A_72 = arith.addi %mul3A_70, %add3A_71 : i32
      %add3A_73 = arith.constant 0 : i32
      %add3A_74 = arith.addi %mul3A_66, %add3A_73 : i32
      %dma_start3A = arith.constant 0 : i32
      %dma_start3A_75 = tpu.memref_slice %arg9[%add3A_74, %dma_start3A] : memref<512x128xbf16, #tpu.memory_space<vmem>> -> memref<128x128xbf16, #tpu.memory_space<vmem>>
      %dma_start3A_76 = arith.constant 0 : i32
      %dma_start3A_77 = tpu.memref_slice %arg7[%add3A_72, %dma_start3A_76] : memref<80x128xi32, #tpu.memory_space<vmem>> -> memref<1x128xi32, #tpu.memory_space<vmem>>
      %dma_start3A_78 = tpu.memref_squeeze %dma_start3A_77 : memref<1x128xi32, #tpu.memory_space<vmem>> -> memref<128xi32, #tpu.memory_space<vmem>>
      %dma_start3A_79 = arith.constant 0 : i32
      %dma_start3A_80 = arith.constant 0 : i32
      %dma_start3A_81 = tpu.memref_slice %arg2[%dma_start3A_79, %dma_start3A_80] : memref<10000x128xbf16, #tpu.memory_space<hbm>> -> memref<10000x128xbf16, #tpu.memory_space<hbm>>
      tpu.enqueue_indirect_dma source(%dma_start3A_81 : memref<10000x128xbf16, #tpu.memory_space<hbm>>) target(%dma_start3A_75 : memref<128x128xbf16, #tpu.memory_space<vmem>>) offsets(%dma_start3A_78 : memref<128xi32, #tpu.memory_space<vmem>>) semaphore(%arg11 : memref<!tpu.dma_semaphore, #tpu.memory_space<semaphore_mem>>)
      %add3A_82 = arith.constant 0 : i32
      %add3A_83 = arith.addi %mul3A_66, %add3A_82 : i32
      %dma_start3A_84 = arith.constant 0 : i32
      %dma_start3A_85 = tpu.memref_slice %arg10[%add3A_83, %dma_start3A_84] : memref<512x128xbf16, #tpu.memory_space<vmem>> -> memref<128x128xbf16, #tpu.memory_space<vmem>>
      %dma_start3A_86 = arith.constant 0 : i32
      %dma_start3A_87 = tpu.memref_slice %arg8[%add3A_72, %dma_start3A_86] : memref<80x128xi32, #tpu.memory_space<vmem>> -> memref<1x128xi32, #tpu.memory_space<vmem>>
      %dma_start3A_88 = tpu.memref_squeeze %dma_start3A_87 : memref<1x128xi32, #tpu.memory_space<vmem>> -> memref<128xi32, #tpu.memory_space<vmem>>
      %dma_start3A_89 = arith.constant 0 : i32
      %dma_start3A_90 = arith.constant 0 : i32
      %dma_start3A_91 = tpu.memref_slice %arg2[%dma_start3A_89, %dma_start3A_90] : memref<10000x128xbf16, #tpu.memory_space<hbm>> -> memref<10000x128xbf16, #tpu.memory_space<hbm>>
      tpu.enqueue_indirect_dma source(%dma_start3A_91 : memref<10000x128xbf16, #tpu.memory_space<hbm>>) target(%dma_start3A_85 : memref<128x128xbf16, #tpu.memory_space<vmem>>) offsets(%dma_start3A_88 : memref<128xi32, #tpu.memory_space<vmem>>) semaphore(%arg12 : memref<!tpu.dma_semaphore, #tpu.memory_space<semaphore_mem>>)
      %mul3A_92 = arith.constant 2 : i32
      %mul3A_93 = arith.muli %scan3A_55, %mul3A_92 : i32
      %add3A_94 = arith.constant 1 : i32
      %add3A_95 = arith.addi %mul3A_93, %add3A_94 : i32
      %add3A_96 = arith.constant 128 : i32
      %add3A_97 = arith.addi %mul3A_66, %add3A_96 : i32
      %dma_start3A_98 = arith.constant 0 : i32
      %dma_start3A_99 = tpu.memref_slice %arg9[%add3A_97, %dma_start3A_98] : memref<512x128xbf16, #tpu.memory_space<vmem>> -> memref<128x128xbf16, #tpu.memory_space<vmem>>
      %dma_start3A_100 = arith.constant 0 : i32
      %dma_start3A_101 = tpu.memref_slice %arg7[%add3A_95, %dma_start3A_100] : memref<80x128xi32, #tpu.memory_space<vmem>> -> memref<1x128xi32, #tpu.memory_space<vmem>>
      %dma_start3A_102 = tpu.memref_squeeze %dma_start3A_101 : memref<1x128xi32, #tpu.memory_space<vmem>> -> memref<128xi32, #tpu.memory_space<vmem>>
      %dma_start3A_103 = arith.constant 0 : i32
      %dma_start3A_104 = arith.constant 0 : i32
      %dma_start3A_105 = tpu.memref_slice %arg2[%dma_start3A_103, %dma_start3A_104] : memref<10000x128xbf16, #tpu.memory_space<hbm>> -> memref<10000x128xbf16, #tpu.memory_space<hbm>>
      tpu.enqueue_indirect_dma source(%dma_start3A_105 : memref<10000x128xbf16, #tpu.memory_space<hbm>>) target(%dma_start3A_99 : memref<128x128xbf16, #tpu.memory_space<vmem>>) offsets(%dma_start3A_102 : memref<128xi32, #tpu.memory_space<vmem>>) semaphore(%arg11 : memref<!tpu.dma_semaphore, #tpu.memory_space<semaphore_mem>>)
      %add3A_106 = arith.constant 128 : i32
      %add3A_107 = arith.addi %mul3A_66, %add3A_106 : i32
      %dma_start3A_108 = arith.constant 0 : i32
      %dma_start3A_109 = tpu.memref_slice %arg10[%add3A_107, %dma_start3A_108] : memref<512x128xbf16, #tpu.memory_space<vmem>> -> memref<128x128xbf16, #tpu.memory_space<vmem>>
      %dma_start3A_110 = arith.constant 0 : i32
      %dma_start3A_111 = tpu.memref_slice %arg8[%add3A_95, %dma_start3A_110] : memref<80x128xi32, #tpu.memory_space<vmem>> -> memref<1x128xi32, #tpu.memory_space<vmem>>
      %dma_start3A_112 = tpu.memref_squeeze %dma_start3A_111 : memref<1x128xi32, #tpu.memory_space<vmem>> -> memref<128xi32, #tpu.memory_space<vmem>>
      %dma_start3A_113 = arith.constant 0 : i32
      %dma_start3A_114 = arith.constant 0 : i32
      %dma_start3A_115 = tpu.memref_slice %arg2[%dma_start3A_113, %dma_start3A_114] : memref<10000x128xbf16, #tpu.memory_space<hbm>> -> memref<10000x128xbf16, #tpu.memory_space<hbm>>
      tpu.enqueue_indirect_dma source(%dma_start3A_115 : memref<10000x128xbf16, #tpu.memory_space<hbm>>) target(%dma_start3A_109 : memref<128x128xbf16, #tpu.memory_space<vmem>>) offsets(%dma_start3A_112 : memref<128xi32, #tpu.memory_space<vmem>>) semaphore(%arg12 : memref<!tpu.dma_semaphore, #tpu.memory_space<semaphore_mem>>)
      %dma_wait3A_116 = arith.constant 0 : i32
      %dma_wait3A_117 = tpu.memref_slice %arg9[%add3A_74, %dma_wait3A_116] : memref<512x128xbf16, #tpu.memory_space<vmem>> -> memref<128x128xbf16, #tpu.memory_space<vmem>>
      %dma_wait3A_118 = arith.constant 0 : i32
      %dma_wait3A_119 = tpu.memref_slice %arg7[%add3A_72, %dma_wait3A_118] : memref<80x128xi32, #tpu.memory_space<vmem>> -> memref<1x128xi32, #tpu.memory_space<vmem>>
      %dma_wait3A_120 = tpu.memref_squeeze %dma_wait3A_119 : memref<1x128xi32, #tpu.memory_space<vmem>> -> memref<128xi32, #tpu.memory_space<vmem>>
      %dma_wait3A_121 = arith.constant 0 : i32
      %dma_wait3A_122 = arith.constant 0 : i32
      %dma_wait3A_123 = tpu.memref_slice %arg2[%dma_wait3A_121, %dma_wait3A_122] : memref<10000x128xbf16, #tpu.memory_space<hbm>> -> memref<10000x128xbf16, #tpu.memory_space<hbm>>
      tpu.wait_indirect_dma semaphore(%arg11 : memref<!tpu.dma_semaphore, #tpu.memory_space<semaphore_mem>>) src(%dma_wait3A_123 : memref<10000x128xbf16, #tpu.memory_space<hbm>>) dst(%dma_wait3A_117 : memref<128x128xbf16, #tpu.memory_space<vmem>>)
      %dma_wait3A_124 = arith.constant 0 : i32
      %dma_wait3A_125 = tpu.memref_slice %arg10[%add3A_83, %dma_wait3A_124] : memref<512x128xbf16, #tpu.memory_space<vmem>> -> memref<128x128xbf16, #tpu.memory_space<vmem>>
      %dma_wait3A_126 = arith.constant 0 : i32
      %dma_wait3A_127 = tpu.memref_slice %arg8[%add3A_72, %dma_wait3A_126] : memref<80x128xi32, #tpu.memory_space<vmem>> -> memref<1x128xi32, #tpu.memory_space<vmem>>
      %dma_wait3A_128 = tpu.memref_squeeze %dma_wait3A_127 : memref<1x128xi32, #tpu.memory_space<vmem>> -> memref<128xi32, #tpu.memory_space<vmem>>
      %dma_wait3A_129 = arith.constant 0 : i32
      %dma_wait3A_130 = arith.constant 0 : i32
      %dma_wait3A_131 = tpu.memref_slice %arg2[%dma_wait3A_129, %dma_wait3A_130] : memref<10000x128xbf16, #tpu.memory_space<hbm>> -> memref<10000x128xbf16, #tpu.memory_space<hbm>>
      tpu.wait_indirect_dma semaphore(%arg12 : memref<!tpu.dma_semaphore, #tpu.memory_space<semaphore_mem>>) src(%dma_wait3A_131 : memref<10000x128xbf16, #tpu.memory_space<hbm>>) dst(%dma_wait3A_125 : memref<128x128xbf16, #tpu.memory_space<vmem>>)
      %dma_wait3A_132 = arith.constant 0 : i32
      %dma_wait3A_133 = tpu.memref_slice %arg9[%add3A_97, %dma_wait3A_132] : memref<512x128xbf16, #tpu.memory_space<vmem>> -> memref<128x128xbf16, #tpu.memory_space<vmem>>
      %dma_wait3A_134 = arith.constant 0 : i32
      %dma_wait3A_135 = tpu.memref_slice %arg7[%add3A_95, %dma_wait3A_134] : memref<80x128xi32, #tpu.memory_space<vmem>> -> memref<1x128xi32, #tpu.memory_space<vmem>>
      %dma_wait3A_136 = tpu.memref_squeeze %dma_wait3A_135 : memref<1x128xi32, #tpu.memory_space<vmem>> -> memref<128xi32, #tpu.memory_space<vmem>>
      %dma_wait3A_137 = arith.constant 0 : i32
      %dma_wait3A_138 = arith.constant 0 : i32
      %dma_wait3A_139 = tpu.memref_slice %arg2[%dma_wait3A_137, %dma_wait3A_138] : memref<10000x128xbf16, #tpu.memory_space<hbm>> -> memref<10000x128xbf16, #tpu.memory_space<hbm>>
      tpu.wait_indirect_dma semaphore(%arg11 : memref<!tpu.dma_semaphore, #tpu.memory_space<semaphore_mem>>) src(%dma_wait3A_139 : memref<10000x128xbf16, #tpu.memory_space<hbm>>) dst(%dma_wait3A_133 : memref<128x128xbf16, #tpu.memory_space<vmem>>)
      %dma_wait3A_140 = arith.constant 0 : i32
      %dma_wait3A_141 = tpu.memref_slice %arg10[%add3A_107, %dma_wait3A_140] : memref<512x128xbf16, #tpu.memory_space<vmem>> -> memref<128x128xbf16, #tpu.memory_space<vmem>>
      %dma_wait3A_142 = arith.constant 0 : i32
      %dma_wait3A_143 = tpu.memref_slice %arg8[%add3A_95, %dma_wait3A_142] : memref<80x128xi32, #tpu.memory_space<vmem>> -> memref<1x128xi32, #tpu.memory_space<vmem>>
      %dma_wait3A_144 = tpu.memref_squeeze %dma_wait3A_143 : memref<1x128xi32, #tpu.memory_space<vmem>> -> memref<128xi32, #tpu.memory_space<vmem>>
      %dma_wait3A_145 = arith.constant 0 : i32
      %dma_wait3A_146 = arith.constant 0 : i32
      %dma_wait3A_147 = tpu.memref_slice %arg2[%dma_wait3A_145, %dma_wait3A_146] : memref<10000x128xbf16, #tpu.memory_space<hbm>> -> memref<10000x128xbf16, #tpu.memory_space<hbm>>
      tpu.wait_indirect_dma semaphore(%arg12 : memref<!tpu.dma_semaphore, #tpu.memory_space<semaphore_mem>>) src(%dma_wait3A_147 : memref<10000x128xbf16, #tpu.memory_space<hbm>>) dst(%dma_wait3A_141 : memref<128x128xbf16, #tpu.memory_space<vmem>>)
      %mul3A_148 = arith.constant 2 : i32
      %mul3A_149 = arith.muli %scan3A_55, %mul3A_148 : i32
      %add3A_150 = arith.addi %mul3A_2, %mul3A_149 : i32
      %mul3A_151 = arith.constant 128 : i32
      %mul3A_152 = arith.muli %add3A_150, %mul3A_151 : i32
      %dma_start3A_153 = arith.constant 0 : i32
      %dma_start3A_154 = tpu.memref_slice %arg9[%mul3A_66, %dma_start3A_153] : memref<512x128xbf16, #tpu.memory_space<vmem>> -> memref<256x128xbf16, #tpu.memory_space<vmem>>
      %dma_start3A_155 = arith.constant 0 : i32
      %dma_start3A_156 = tpu.memref_slice %arg5[%mul3A_152, %dma_start3A_155] : memref<327680x128xbf16, #tpu.memory_space<hbm>> -> memref<256x128xbf16, #tpu.memory_space<hbm>>
      %dma_start3A_157 = arith.constant 0 : i32
      %dma_start3A_158 = tpu.memref_slice %arg5[%mul3A_152, %dma_start3A_157] : memref<327680x128xbf16, #tpu.memory_space<hbm>> -> memref<256x128xbf16, #tpu.memory_space<hbm>>
      %dma_start3A_159 = arith.constant 0 : i32
      %dma_start3A_160 = tpu.memref_slice %arg9[%mul3A_66, %dma_start3A_159] : memref<512x128xbf16, #tpu.memory_space<vmem>> -> memref<256x128xbf16, #tpu.memory_space<vmem>>
      tpu.enqueue_dma source(%dma_start3A_160 : memref<256x128xbf16, #tpu.memory_space<vmem>>) target(%dma_start3A_158 : memref<256x128xbf16, #tpu.memory_space<hbm>>) target_semaphore(%arg13 : memref<!tpu.dma_semaphore, #tpu.memory_space<semaphore_mem>>)
      %dma_start3A_161 = arith.constant 0 : i32
      %dma_start3A_162 = tpu.memref_slice %arg10[%mul3A_66, %dma_start3A_161] : memref<512x128xbf16, #tpu.memory_space<vmem>> -> memref<256x128xbf16, #tpu.memory_space<vmem>>
      %dma_start3A_163 = arith.constant 0 : i32
      %dma_start3A_164 = tpu.memref_slice %arg6[%mul3A_152, %dma_start3A_163] : memref<327680x128xbf16, #tpu.memory_space<hbm>> -> memref<256x128xbf16, #tpu.memory_space<hbm>>
      %dma_start3A_165 = arith.constant 0 : i32
      %dma_start3A_166 = tpu.memref_slice %arg6[%mul3A_152, %dma_start3A_165] : memref<327680x128xbf16, #tpu.memory_space<hbm>> -> memref<256x128xbf16, #tpu.memory_space<hbm>>
      %dma_start3A_167 = arith.constant 0 : i32
      %dma_start3A_168 = tpu.memref_slice %arg10[%mul3A_66, %dma_start3A_167] : memref<512x128xbf16, #tpu.memory_space<vmem>> -> memref<256x128xbf16, #tpu.memory_space<vmem>>
      tpu.enqueue_dma source(%dma_start3A_168 : memref<256x128xbf16, #tpu.memory_space<vmem>>) target(%dma_start3A_166 : memref<256x128xbf16, #tpu.memory_space<hbm>>) target_semaphore(%arg13 : memref<!tpu.dma_semaphore, #tpu.memory_space<semaphore_mem>>)
    }
    %scan3A_7 = arith.constant 40 : i32
    %dma_wait3A = arith.constant 0 : i32
    %dma_wait3A_8 = arith.constant 0 : i32
    %dma_wait3A_9 = tpu.memref_slice %arg9[%dma_wait3A, %dma_wait3A_8] : memref<512x128xbf16, #tpu.memory_space<vmem>> -> memref<256x128xbf16, #tpu.memory_space<vmem>>
    %dma_wait3A_10 = arith.constant 0 : i32
    %dma_wait3A_11 = arith.constant 0 : i32
    %dma_wait3A_12 = tpu.memref_slice %arg5[%dma_wait3A_10, %dma_wait3A_11] : memref<327680x128xbf16, #tpu.memory_space<hbm>> -> memref<256x128xbf16, #tpu.memory_space<hbm>>
    %dma_wait3A_13 = arith.constant 0 : i32
    %dma_wait3A_14 = arith.constant 0 : i32
    %dma_wait3A_15 = tpu.memref_slice %arg5[%dma_wait3A_13, %dma_wait3A_14] : memref<327680x128xbf16, #tpu.memory_space<hbm>> -> memref<256x128xbf16, #tpu.memory_space<hbm>>
    %dma_wait3A_16 = arith.constant 0 : i32
    %dma_wait3A_17 = arith.constant 0 : i32
    %dma_wait3A_18 = tpu.memref_slice %arg9[%dma_wait3A_16, %dma_wait3A_17] : memref<512x128xbf16, #tpu.memory_space<vmem>> -> memref<256x128xbf16, #tpu.memory_space<vmem>>
    tpu.wait_dma2 semaphore(%arg13 : memref<!tpu.dma_semaphore, #tpu.memory_space<semaphore_mem>>) src(%dma_wait3A_18 : memref<256x128xbf16, #tpu.memory_space<vmem>>) dst(%dma_wait3A_15 : memref<256x128xbf16, #tpu.memory_space<hbm>>)
    %dma_wait3A_19 = arith.constant 0 : i32
    %dma_wait3A_20 = arith.constant 0 : i32
    %dma_wait3A_21 = tpu.memref_slice %arg10[%dma_wait3A_19, %dma_wait3A_20] : memref<512x128xbf16, #tpu.memory_space<vmem>> -> memref<256x128xbf16, #tpu.memory_space<vmem>>
    %dma_wait3A_22 = arith.constant 0 : i32
    %dma_wait3A_23 = arith.constant 0 : i32
    %dma_wait3A_24 = tpu.memref_slice %arg6[%dma_wait3A_22, %dma_wait3A_23] : memref<327680x128xbf16, #tpu.memory_space<hbm>> -> memref<256x128xbf16, #tpu.memory_space<hbm>>
    %dma_wait3A_25 = arith.constant 0 : i32
    %dma_wait3A_26 = arith.constant 0 : i32
    %dma_wait3A_27 = tpu.memref_slice %arg6[%dma_wait3A_25, %dma_wait3A_26] : memref<327680x128xbf16, #tpu.memory_space<hbm>> -> memref<256x128xbf16, #tpu.memory_space<hbm>>
    %dma_wait3A_28 = arith.constant 0 : i32
    %dma_wait3A_29 = arith.constant 0 : i32
    %dma_wait3A_30 = tpu.memref_slice %arg10[%dma_wait3A_28, %dma_wait3A_29] : memref<512x128xbf16, #tpu.memory_space<vmem>> -> memref<256x128xbf16, #tpu.memory_space<vmem>>
    tpu.wait_dma2 semaphore(%arg13 : memref<!tpu.dma_semaphore, #tpu.memory_space<semaphore_mem>>) src(%dma_wait3A_30 : memref<256x128xbf16, #tpu.memory_space<vmem>>) dst(%dma_wait3A_27 : memref<256x128xbf16, #tpu.memory_space<hbm>>)
    %dma_wait3A_31 = arith.constant 256 : i32
    %dma_wait3A_32 = arith.constant 0 : i32
    %dma_wait3A_33 = tpu.memref_slice %arg9[%dma_wait3A_31, %dma_wait3A_32] : memref<512x128xbf16, #tpu.memory_space<vmem>> -> memref<256x128xbf16, #tpu.memory_space<vmem>>
    %dma_wait3A_34 = arith.constant 0 : i32
    %dma_wait3A_35 = arith.constant 0 : i32
    %dma_wait3A_36 = tpu.memref_slice %arg5[%dma_wait3A_34, %dma_wait3A_35] : memref<327680x128xbf16, #tpu.memory_space<hbm>> -> memref<256x128xbf16, #tpu.memory_space<hbm>>
    %dma_wait3A_37 = arith.constant 0 : i32
    %dma_wait3A_38 = arith.constant 0 : i32
    %dma_wait3A_39 = tpu.memref_slice %arg5[%dma_wait3A_37, %dma_wait3A_38] : memref<327680x128xbf16, #tpu.memory_space<hbm>> -> memref<256x128xbf16, #tpu.memory_space<hbm>>
    %dma_wait3A_40 = arith.constant 256 : i32
    %dma_wait3A_41 = arith.constant 0 : i32
    %dma_wait3A_42 = tpu.memref_slice %arg9[%dma_wait3A_40, %dma_wait3A_41] : memref<512x128xbf16, #tpu.memory_space<vmem>> -> memref<256x128xbf16, #tpu.memory_space<vmem>>
    tpu.wait_dma2 semaphore(%arg13 : memref<!tpu.dma_semaphore, #tpu.memory_space<semaphore_mem>>) src(%dma_wait3A_42 : memref<256x128xbf16, #tpu.memory_space<vmem>>) dst(%dma_wait3A_39 : memref<256x128xbf16, #tpu.memory_space<hbm>>)
    %dma_wait3A_43 = arith.constant 256 : i32
    %dma_wait3A_44 = arith.constant 0 : i32
    %dma_wait3A_45 = tpu.memref_slice %arg10[%dma_wait3A_43, %dma_wait3A_44] : memref<512x128xbf16, #tpu.memory_space<vmem>> -> memref<256x128xbf16, #tpu.memory_space<vmem>>
    %dma_wait3A_46 = arith.constant 0 : i32
    %dma_wait3A_47 = arith.constant 0 : i32
    %dma_wait3A_48 = tpu.memref_slice %arg6[%dma_wait3A_46, %dma_wait3A_47] : memref<327680x128xbf16, #tpu.memory_space<hbm>> -> memref<256x128xbf16, #tpu.memory_space<hbm>>
    %dma_wait3A_49 = arith.constant 0 : i32
    %dma_wait3A_50 = arith.constant 0 : i32
    %dma_wait3A_51 = tpu.memref_slice %arg6[%dma_wait3A_49, %dma_wait3A_50] : memref<327680x128xbf16, #tpu.memory_space<hbm>> -> memref<256x128xbf16, #tpu.memory_space<hbm>>
    %dma_wait3A_52 = arith.constant 256 : i32
    %dma_wait3A_53 = arith.constant 0 : i32
    %dma_wait3A_54 = tpu.memref_slice %arg10[%dma_wait3A_52, %dma_wait3A_53] : memref<512x128xbf16, #tpu.memory_space<vmem>> -> memref<256x128xbf16, #tpu.memory_space<vmem>>
    tpu.wait_dma2 semaphore(%arg13 : memref<!tpu.dma_semaphore, #tpu.memory_space<semaphore_mem>>) src(%dma_wait3A_54 : memref<256x128xbf16, #tpu.memory_space<vmem>>) dst(%dma_wait3A_51 : memref<256x128xbf16, #tpu.memory_space<hbm>>)
    return
  }
}

#map = affine_map<(d0, d1) -> (0, 0)>
module attributes {stable_mosaic.version = 14 : i64} {
  func.func @_s2_scatter(%arg0: i32, %arg1: i32, %arg2: memref<2560x128xi32, #tpu.memory_space<hbm>>, %arg3: memref<327680x32xf32, #tpu.memory_space<hbm>>, %arg4: memref<327680x32xf32, #tpu.memory_space<hbm>>, %arg5: memref<10240x32xf32, #tpu.memory_space<hbm>>, %arg6: memref<10240x32xf32, #tpu.memory_space<hbm>>, %arg7: memref<10240x32xf32, #tpu.memory_space<hbm>>, %arg8: memref<10240x32xf32, #tpu.memory_space<hbm>>, %arg9: memref<10240x16xf32, #tpu.memory_space<hbm>>, %arg10: memref<10240x16xf32, #tpu.memory_space<hbm>>, %arg11: memref<80x128xi32, #tpu.memory_space<vmem>>, %arg12: memref<1024x32xf32, #tpu.memory_space<vmem>>, %arg13: memref<128x16xf32, #tpu.memory_space<vmem>>, %arg14: memref<640x32xf32, #tpu.memory_space<vmem>>, %arg15: memref<640x16xf32, #tpu.memory_space<vmem>>, %arg16: memref<10240x32xf32, #tpu.memory_space<vmem_shared>>, %arg17: memref<10240x16xf32, #tpu.memory_space<vmem_shared>>, %arg18: memref<!tpu.dma_semaphore, #tpu.memory_space<semaphore_mem>>) attributes {dimension_semantics = [#tpu.dimension_semantics<core_parallel>, #tpu.dimension_semantics<subcore_parallel>], iteration_bounds = array<i64: 2, 16>, scalar_prefetch = 0 : i64, scratch_operands = 8 : i64, tpu.core_type = #tpu.core_type<sc_vector_subcore>, window_params = [{transform_indices = #map}, {transform_indices = #map}, {transform_indices = #map}, {transform_indices = #map}, {transform_indices = #map}, {transform_indices = #map}, {transform_indices = #map}, {transform_indices = #map}, {transform_indices = #map}]} {
    %mul3A = arith.constant 2 : i32
    %mul3A_0 = arith.muli %arg1, %mul3A : i32
    %add3A = arith.addi %mul3A_0, %arg0 : i32
    %mul3A_1 = arith.constant 80 : i32
    %mul3A_2 = arith.muli %add3A, %mul3A_1 : i32
    %mul3A_3 = arith.constant 640 : i32
    %mul3A_4 = arith.muli %arg1, %mul3A_3 : i32
    "tpu.region"() ({
      %run_scoped3A = tpu.sem_alloc : memref<!tpu.dma_semaphore, #tpu.memory_space<semaphore_mem>>
      %dma_start3A_87 = arith.constant 0 : i32
      %dma_start3A_88 = tpu.memref_slice %arg2[%mul3A_2, %dma_start3A_87] : memref<2560x128xi32, #tpu.memory_space<hbm>> -> memref<80x128xi32, #tpu.memory_space<hbm>>
      %dma_start3A_89 = arith.constant 0 : i32
      %dma_start3A_90 = tpu.memref_slice %arg2[%mul3A_2, %dma_start3A_89] : memref<2560x128xi32, #tpu.memory_space<hbm>> -> memref<80x128xi32, #tpu.memory_space<hbm>>
      tpu.enqueue_dma source(%dma_start3A_90 : memref<80x128xi32, #tpu.memory_space<hbm>>) target(%arg11 : memref<80x128xi32, #tpu.memory_space<vmem>>) target_semaphore(%run_scoped3A : memref<!tpu.dma_semaphore, #tpu.memory_space<semaphore_mem>>)
      %dma_wait3A = arith.constant 0 : i32
      %dma_wait3A_91 = tpu.memref_slice %arg2[%mul3A_2, %dma_wait3A] : memref<2560x128xi32, #tpu.memory_space<hbm>> -> memref<80x128xi32, #tpu.memory_space<hbm>>
      %dma_wait3A_92 = arith.constant 0 : i32
      %dma_wait3A_93 = tpu.memref_slice %arg2[%mul3A_2, %dma_wait3A_92] : memref<2560x128xi32, #tpu.memory_space<hbm>> -> memref<80x128xi32, #tpu.memory_space<hbm>>
      tpu.wait_dma2 semaphore(%run_scoped3A : memref<!tpu.dma_semaphore, #tpu.memory_space<semaphore_mem>>) src(%dma_wait3A_93 : memref<80x128xi32, #tpu.memory_space<hbm>>) dst(%arg11 : memref<80x128xi32, #tpu.memory_space<vmem>>)
      tpu.yield
    }) : () -> ()
    %scan3A = arith.constant 0 : i32
    %scan3A_5 = arith.constant 0 : i32
    %scan3A_6 = arith.constant 640 : i32
    %scan3A_7 = arith.addi %scan3A_5, %scan3A_6 : i32
    %scan3A_8 = arith.constant 1 : i32
    scf.for %scan3A_87 = %scan3A_5 to %scan3A_7 step %scan3A_8  : i32 {
      %broadcast_in_dim3A = arith.constant 0.000000e+00 : f32
      %broadcast_in_dim3A_88 = vector.broadcast %broadcast_in_dim3A : f32 to vector<16xf32>
      %swap3A = arith.index_cast %scan3A_87 : i32 to index
      %swap3A_89 = arith.constant 0 : index
      %swap3A_90 = tpu.vector_load %arg14[%swap3A, %swap3A_89] {strides = array<i32>} : memref<640x32xf32, #tpu.memory_space<vmem>>, vector<1x16xf32>,
      %swap3A_91 = vector.shape_cast %swap3A_90 : vector<1x16xf32> to vector<16xf32>
      %swap3A_92 = vector.shape_cast %broadcast_in_dim3A_88 : vector<16xf32> to vector<1x16xf32>
      tpu.vector_store %arg14[%swap3A, %swap3A_89], %swap3A_92 {strides = array<i32>} : memref<640x32xf32, #tpu.memory_space<vmem>>, vector<1x16xf32>,
      %broadcast_in_dim3A_93 = arith.constant 0.000000e+00 : f32
      %broadcast_in_dim3A_94 = vector.broadcast %broadcast_in_dim3A_93 : f32 to vector<16xf32>
      %swap3A_95 = arith.index_cast %scan3A_87 : i32 to index
      %swap3A_96 = arith.constant 16 : index
      %swap3A_97 = tpu.vector_load %arg14[%swap3A_95, %swap3A_96] {strides = array<i32>} : memref<640x32xf32, #tpu.memory_space<vmem>>, vector<1x16xf32>,
      %swap3A_98 = vector.shape_cast %swap3A_97 : vector<1x16xf32> to vector<16xf32>
      %swap3A_99 = vector.shape_cast %broadcast_in_dim3A_94 : vector<16xf32> to vector<1x16xf32>
      tpu.vector_store %arg14[%swap3A_95, %swap3A_96], %swap3A_99 {strides = array<i32>} : memref<640x32xf32, #tpu.memory_space<vmem>>, vector<1x16xf32>,
      %broadcast_in_dim3A_100 = arith.constant 0.000000e+00 : f32
      %broadcast_in_dim3A_101 = vector.broadcast %broadcast_in_dim3A_100 : f32 to vector<16xf32>
      %swap3A_102 = arith.index_cast %scan3A_87 : i32 to index
      %swap3A_103 = arith.constant 0 : index
      %swap3A_104 = tpu.vector_load %arg15[%swap3A_102, %swap3A_103] {strides = array<i32>} : memref<640x16xf32, #tpu.memory_space<vmem>>, vector<1x16xf32>,
      %swap3A_105 = vector.shape_cast %swap3A_104 : vector<1x16xf32> to vector<16xf32>
      %swap3A_106 = vector.shape_cast %broadcast_in_dim3A_101 : vector<16xf32> to vector<1x16xf32>
      tpu.vector_store %arg15[%swap3A_102, %swap3A_103], %swap3A_106 {strides = array<i32>} : memref<640x16xf32, #tpu.memory_space<vmem>>, vector<1x16xf32>,
    }
    %scan3A_9 = arith.constant 640 : i32
    %scan3A_10 = arith.constant 0 : i32
    %scan3A_11 = arith.constant 0 : i32
    %scan3A_12 = arith.constant 128 : i32
    %scan3A_13 = arith.addi %scan3A_11, %scan3A_12 : i32
    %scan3A_14 = arith.constant 1 : i32
    scf.for %scan3A_87 = %scan3A_11 to %scan3A_13 step %scan3A_14  : i32 {
      %broadcast_in_dim3A = arith.constant 1.000000e+00 : f32
      %broadcast_in_dim3A_88 = vector.broadcast %broadcast_in_dim3A : f32 to vector<16xf32>
      %swap3A = arith.index_cast %scan3A_87 : i32 to index
      %swap3A_89 = arith.constant 0 : index
      %swap3A_90 = tpu.vector_load %arg13[%swap3A, %swap3A_89] {strides = array<i32>} : memref<128x16xf32, #tpu.memory_space<vmem>>, vector<1x16xf32>,
      %swap3A_91 = vector.shape_cast %swap3A_90 : vector<1x16xf32> to vector<16xf32>
      %swap3A_92 = vector.shape_cast %broadcast_in_dim3A_88 : vector<16xf32> to vector<1x16xf32>
      tpu.vector_store %arg13[%swap3A, %swap3A_89], %swap3A_92 {strides = array<i32>} : memref<128x16xf32, #tpu.memory_space<vmem>>, vector<1x16xf32>,
    }
    %scan3A_15 = arith.constant 128 : i32
    "tpu.region"() ({
      %run_scoped3A = tpu.sem_alloc : memref<!tpu.dma_semaphore, #tpu.memory_space<semaphore_mem>>
      %dma_start3A_87 = arith.constant 0 : i32
      %dma_start3A_88 = tpu.memref_slice %arg16[%mul3A_4, %dma_start3A_87] : memref<10240x32xf32, #tpu.memory_space<vmem_shared>> -> memref<640x32xf32, #tpu.memory_space<vmem_shared>>
      %dma_start3A_89 = arith.constant 0 : i32
      %dma_start3A_90 = tpu.memref_slice %arg16[%mul3A_4, %dma_start3A_89] : memref<10240x32xf32, #tpu.memory_space<vmem_shared>> -> memref<640x32xf32, #tpu.memory_space<vmem_shared>>
      tpu.enqueue_dma source(%arg14 : memref<640x32xf32, #tpu.memory_space<vmem>>) target(%dma_start3A_90 : memref<640x32xf32, #tpu.memory_space<vmem_shared>>) target_semaphore(%run_scoped3A : memref<!tpu.dma_semaphore, #tpu.memory_space<semaphore_mem>>)
      %dma_wait3A = arith.constant 0 : i32
      %dma_wait3A_91 = tpu.memref_slice %arg16[%mul3A_4, %dma_wait3A] : memref<10240x32xf32, #tpu.memory_space<vmem_shared>> -> memref<640x32xf32, #tpu.memory_space<vmem_shared>>
      %dma_wait3A_92 = arith.constant 0 : i32
      %dma_wait3A_93 = tpu.memref_slice %arg16[%mul3A_4, %dma_wait3A_92] : memref<10240x32xf32, #tpu.memory_space<vmem_shared>> -> memref<640x32xf32, #tpu.memory_space<vmem_shared>>
      tpu.wait_dma2 semaphore(%run_scoped3A : memref<!tpu.dma_semaphore, #tpu.memory_space<semaphore_mem>>) src(%arg14 : memref<640x32xf32, #tpu.memory_space<vmem>>) dst(%dma_wait3A_93 : memref<640x32xf32, #tpu.memory_space<vmem_shared>>)
      tpu.yield
    }) : () -> ()
    "tpu.region"() ({
      %run_scoped3A = tpu.sem_alloc : memref<!tpu.dma_semaphore, #tpu.memory_space<semaphore_mem>>
      %dma_start3A_87 = arith.constant 0 : i32
      %dma_start3A_88 = tpu.memref_slice %arg17[%mul3A_4, %dma_start3A_87] : memref<10240x16xf32, #tpu.memory_space<vmem_shared>> -> memref<640x16xf32, #tpu.memory_space<vmem_shared>>
      %dma_start3A_89 = arith.constant 0 : i32
      %dma_start3A_90 = tpu.memref_slice %arg17[%mul3A_4, %dma_start3A_89] : memref<10240x16xf32, #tpu.memory_space<vmem_shared>> -> memref<640x16xf32, #tpu.memory_space<vmem_shared>>
      tpu.enqueue_dma source(%arg15 : memref<640x16xf32, #tpu.memory_space<vmem>>) target(%dma_start3A_90 : memref<640x16xf32, #tpu.memory_space<vmem_shared>>) target_semaphore(%run_scoped3A : memref<!tpu.dma_semaphore, #tpu.memory_space<semaphore_mem>>)
      %dma_wait3A = arith.constant 0 : i32
      %dma_wait3A_91 = tpu.memref_slice %arg17[%mul3A_4, %dma_wait3A] : memref<10240x16xf32, #tpu.memory_space<vmem_shared>> -> memref<640x16xf32, #tpu.memory_space<vmem_shared>>
      %dma_wait3A_92 = arith.constant 0 : i32
      %dma_wait3A_93 = tpu.memref_slice %arg17[%mul3A_4, %dma_wait3A_92] : memref<10240x16xf32, #tpu.memory_space<vmem_shared>> -> memref<640x16xf32, #tpu.memory_space<vmem_shared>>
      tpu.wait_dma2 semaphore(%run_scoped3A : memref<!tpu.dma_semaphore, #tpu.memory_space<semaphore_mem>>) src(%arg15 : memref<640x16xf32, #tpu.memory_space<vmem>>) dst(%dma_wait3A_93 : memref<640x16xf32, #tpu.memory_space<vmem_shared>>)
      tpu.yield
    }) : () -> ()
    %barrier3A = arith.constant 0 : index
    tpu.barrier barrier_id(%barrier3A)
    %mul3A_16 = arith.constant 128 : i32
    %mul3A_17 = arith.muli %mul3A_2, %mul3A_16 : i32
    %dma_start3A = arith.constant 0 : i32
    %dma_start3A_18 = arith.constant 0 : i32
    %dma_start3A_19 = tpu.memref_slice %arg12[%dma_start3A, %dma_start3A_18] : memref<1024x32xf32, #tpu.memory_space<vmem>> -> memref<512x32xf32, #tpu.memory_space<vmem>>
    %dma_start3A_20 = arith.constant 0 : i32
    %dma_start3A_21 = tpu.memref_slice %arg3[%mul3A_17, %dma_start3A_20] : memref<327680x32xf32, #tpu.memory_space<hbm>> -> memref<512x32xf32, #tpu.memory_space<hbm>>
    %dma_start3A_22 = arith.constant 0 : i32
    %dma_start3A_23 = arith.constant 0 : i32
    %dma_start3A_24 = tpu.memref_slice %arg12[%dma_start3A_22, %dma_start3A_23] : memref<1024x32xf32, #tpu.memory_space<vmem>> -> memref<512x32xf32, #tpu.memory_space<vmem>>
    %dma_start3A_25 = arith.constant 0 : i32
    %dma_start3A_26 = tpu.memref_slice %arg3[%mul3A_17, %dma_start3A_25] : memref<327680x32xf32, #tpu.memory_space<hbm>> -> memref<512x32xf32, #tpu.memory_space<hbm>>
    tpu.enqueue_dma source(%dma_start3A_26 : memref<512x32xf32, #tpu.memory_space<hbm>>) target(%dma_start3A_24 : memref<512x32xf32, #tpu.memory_space<vmem>>) target_semaphore(%arg18 : memref<!tpu.dma_semaphore, #tpu.memory_space<semaphore_mem>>)
    %scan3A_27 = arith.constant 0 : i32
    %scan3A_28 = arith.constant 0 : i32
    %scan3A_29 = arith.constant 20 : i32
    %scan3A_30 = arith.addi %scan3A_28, %scan3A_29 : i32
    %scan3A_31 = arith.constant 1 : i32
    scf.for %scan3A_87 = %scan3A_28 to %scan3A_30 step %scan3A_31  : i32 {
      %jit3A = arith.constant 2 : i32
      %eq3A_88 = arith.constant 0 : i32
      %eq3A_89 = arith.cmpi eq, %jit3A, %eq3A_88 : i32
      %jit3A_90 = arith.constant 1 : i32
      %select_n3A = arith.select %eq3A_89, %jit3A_90, %jit3A : i32
      %rem3A = arith.remsi %scan3A_87, %select_n3A : i32
      %ne3A = arith.constant 0 : i32
      %ne3A_91 = arith.cmpi ne, %rem3A, %ne3A : i32
      %lt3A = arith.constant 0 : i32
      %lt3A_92 = arith.cmpi slt, %rem3A, %lt3A : i32
      %lt3A_93 = arith.constant 0 : i32
      %lt3A_94 = arith.cmpi slt, %select_n3A, %lt3A_93 : i32
      %ne3A_95 = arith.xori %lt3A_92, %lt3A_94 : i1
      %and3A = arith.andi %ne3A_95, %ne3A_91 : i1
      %add3A_96 = arith.addi %rem3A, %select_n3A : i32
      %select_n3A_97 = arith.select %and3A, %add3A_96, %rem3A : i32
      %mul3A_98 = arith.constant 512 : i32
      %mul3A_99 = arith.muli %select_n3A_97, %mul3A_98 : i32
      %dma_wait3A = arith.constant 0 : i32
      %dma_wait3A_100 = tpu.memref_slice %arg12[%mul3A_99, %dma_wait3A] : memref<1024x32xf32, #tpu.memory_space<vmem>> -> memref<512x32xf32, #tpu.memory_space<vmem>>
      %dma_wait3A_101 = arith.constant 0 : i32
      %dma_wait3A_102 = arith.constant 0 : i32
      %dma_wait3A_103 = tpu.memref_slice %arg3[%dma_wait3A_101, %dma_wait3A_102] : memref<327680x32xf32, #tpu.memory_space<hbm>> -> memref<512x32xf32, #tpu.memory_space<hbm>>
      %dma_wait3A_104 = arith.constant 0 : i32
      %dma_wait3A_105 = tpu.memref_slice %arg12[%mul3A_99, %dma_wait3A_104] : memref<1024x32xf32, #tpu.memory_space<vmem>> -> memref<512x32xf32, #tpu.memory_space<vmem>>
      %dma_wait3A_106 = arith.constant 0 : i32
      %dma_wait3A_107 = arith.constant 0 : i32
      %dma_wait3A_108 = tpu.memref_slice %arg3[%dma_wait3A_106, %dma_wait3A_107] : memref<327680x32xf32, #tpu.memory_space<hbm>> -> memref<512x32xf32, #tpu.memory_space<hbm>>
      tpu.wait_dma2 semaphore(%arg18 : memref<!tpu.dma_semaphore, #tpu.memory_space<semaphore_mem>>) src(%dma_wait3A_108 : memref<512x32xf32, #tpu.memory_space<hbm>>) dst(%dma_wait3A_105 : memref<512x32xf32, #tpu.memory_space<vmem>>)
      %add3A_109 = arith.constant 1 : i32
      %add3A_110 = arith.addi %scan3A_87, %add3A_109 : i32
      %lt3A_111 = arith.constant 20 : i32
      %lt3A_112 = arith.cmpi slt, %add3A_110, %lt3A_111 : i32
      %convert_element_type3A_113 = arith.extui %lt3A_112 : i1 to i32
      %cond3A_114 = arith.constant 0 : i32
      %cond3A_115 = arith.cmpi ne, %convert_element_type3A_113, %cond3A_114 : i32
      scf.if %cond3A_115 {
        %add3A_140 = arith.constant 1 : i32
        %add3A_141 = arith.addi %scan3A_87, %add3A_140 : i32
        %jit3A_142 = arith.constant 2 : i32
        %eq3A_143 = arith.constant 0 : i32
        %eq3A_144 = arith.cmpi eq, %jit3A_142, %eq3A_143 : i32
        %jit3A_145 = arith.constant 1 : i32
        %select_n3A_146 = arith.select %eq3A_144, %jit3A_145, %jit3A_142 : i32
        %rem3A_147 = arith.remsi %add3A_141, %select_n3A_146 : i32
        %ne3A_148 = arith.constant 0 : i32
        %ne3A_149 = arith.cmpi ne, %rem3A_147, %ne3A_148 : i32
        %lt3A_150 = arith.constant 0 : i32
        %lt3A_151 = arith.cmpi slt, %rem3A_147, %lt3A_150 : i32
        %lt3A_152 = arith.constant 0 : i32
        %lt3A_153 = arith.cmpi slt, %select_n3A_146, %lt3A_152 : i32
        %ne3A_154 = arith.xori %lt3A_151, %lt3A_153 : i1
        %and3A_155 = arith.andi %ne3A_154, %ne3A_149 : i1
        %add3A_156 = arith.addi %rem3A_147, %select_n3A_146 : i32
        %select_n3A_157 = arith.select %and3A_155, %add3A_156, %rem3A_147 : i32
        %mul3A_158 = arith.constant 512 : i32
        %mul3A_159 = arith.muli %select_n3A_157, %mul3A_158 : i32
        %add3A_160 = arith.constant 1 : i32
        %add3A_161 = arith.addi %scan3A_87, %add3A_160 : i32
        %mul3A_162 = arith.constant 4 : i32
        %mul3A_163 = arith.muli %add3A_161, %mul3A_162 : i32
        %add3A_164 = arith.addi %mul3A_2, %mul3A_163 : i32
        %mul3A_165 = arith.constant 128 : i32
        %mul3A_166 = arith.muli %add3A_164, %mul3A_165 : i32
        %dma_start3A_167 = arith.constant 0 : i32
        %dma_start3A_168 = tpu.memref_slice %arg12[%mul3A_159, %dma_start3A_167] : memref<1024x32xf32, #tpu.memory_space<vmem>> -> memref<512x32xf32, #tpu.memory_space<vmem>>
        %dma_start3A_169 = arith.constant 0 : i32
        %dma_start3A_170 = tpu.memref_slice %arg3[%mul3A_166, %dma_start3A_169] : memref<327680x32xf32, #tpu.memory_space<hbm>> -> memref<512x32xf32, #tpu.memory_space<hbm>>
        %dma_start3A_171 = arith.constant 0 : i32
        %dma_start3A_172 = tpu.memref_slice %arg12[%mul3A_159, %dma_start3A_171] : memref<1024x32xf32, #tpu.memory_space<vmem>> -> memref<512x32xf32, #tpu.memory_space<vmem>>
        %dma_start3A_173 = arith.constant 0 : i32
        %dma_start3A_174 = tpu.memref_slice %arg3[%mul3A_166, %dma_start3A_173] : memref<327680x32xf32, #tpu.memory_space<hbm>> -> memref<512x32xf32, #tpu.memory_space<hbm>>
        tpu.enqueue_dma source(%dma_start3A_174 : memref<512x32xf32, #tpu.memory_space<hbm>>) target(%dma_start3A_172 : memref<512x32xf32, #tpu.memory_space<vmem>>) target_semaphore(%arg18 : memref<!tpu.dma_semaphore, #tpu.memory_space<semaphore_mem>>)
      } else {
      }
      %mul3A_116 = arith.constant 4 : i32
      %mul3A_117 = arith.muli %scan3A_87, %mul3A_116 : i32
      %add3A_118 = arith.constant 0 : i32
      %add3A_119 = arith.addi %mul3A_117, %add3A_118 : i32
      %add3A_120 = arith.constant 0 : i32
      %add3A_121 = arith.addi %mul3A_99, %add3A_120 : i32
      "tpu.region"() ({
        %run_scoped3A = tpu.sem_alloc : memref<!tpu.dma_semaphore, #tpu.memory_space<semaphore_mem>>
        %dma_start3A_140 = arith.constant 0 : i32
        %dma_start3A_141 = tpu.memref_slice %arg12[%add3A_121, %dma_start3A_140] : memref<1024x32xf32, #tpu.memory_space<vmem>> -> memref<128x32xf32, #tpu.memory_space<vmem>>
        %dma_start3A_142 = arith.constant 0 : i32
        %dma_start3A_143 = tpu.memref_slice %arg11[%add3A_119, %dma_start3A_142] : memref<80x128xi32, #tpu.memory_space<vmem>> -> memref<1x128xi32, #tpu.memory_space<vmem>>
        %dma_start3A_144 = tpu.memref_squeeze %dma_start3A_143 : memref<1x128xi32, #tpu.memory_space<vmem>> -> memref<128xi32, #tpu.memory_space<vmem>>
        %dma_start3A_145 = arith.constant 0 : i32
        %dma_start3A_146 = arith.constant 0 : i32
        %dma_start3A_147 = tpu.memref_slice %arg16[%dma_start3A_145, %dma_start3A_146] : memref<10240x32xf32, #tpu.memory_space<vmem_shared>> -> memref<10240x32xf32, #tpu.memory_space<vmem_shared>>
        tpu.enqueue_indirect_dma source(%dma_start3A_141 : memref<128x32xf32, #tpu.memory_space<vmem>>) target(%dma_start3A_147 : memref<10240x32xf32, #tpu.memory_space<vmem_shared>>) offsets(%dma_start3A_144 : memref<128xi32, #tpu.memory_space<vmem>>) semaphore(%run_scoped3A : memref<!tpu.dma_semaphore, #tpu.memory_space<semaphore_mem>>) {add = true}
        %dma_wait3A_148 = arith.constant 0 : i32
        %dma_wait3A_149 = tpu.memref_slice %arg12[%add3A_121, %dma_wait3A_148] : memref<1024x32xf32, #tpu.memory_space<vmem>> -> memref<128x32xf32, #tpu.memory_space<vmem>>
        %dma_wait3A_150 = arith.constant 0 : i32
        %dma_wait3A_151 = tpu.memref_slice %arg11[%add3A_119, %dma_wait3A_150] : memref<80x128xi32, #tpu.memory_space<vmem>> -> memref<1x128xi32, #tpu.memory_space<vmem>>
        %dma_wait3A_152 = tpu.memref_squeeze %dma_wait3A_151 : memref<1x128xi32, #tpu.memory_space<vmem>> -> memref<128xi32, #tpu.memory_space<vmem>>
        %dma_wait3A_153 = arith.constant 0 : i32
        %dma_wait3A_154 = arith.constant 0 : i32
        %dma_wait3A_155 = tpu.memref_slice %arg16[%dma_wait3A_153, %dma_wait3A_154] : memref<10240x32xf32, #tpu.memory_space<vmem_shared>> -> memref<10240x32xf32, #tpu.memory_space<vmem_shared>>
        tpu.wait_indirect_dma semaphore(%run_scoped3A : memref<!tpu.dma_semaphore, #tpu.memory_space<semaphore_mem>>) src(%dma_wait3A_149 : memref<128x32xf32, #tpu.memory_space<vmem>>) dst(%dma_wait3A_155 : memref<10240x32xf32, #tpu.memory_space<vmem_shared>>)
        tpu.yield
      }) : () -> ()
      "tpu.region"() ({
        %run_scoped3A = tpu.sem_alloc : memref<!tpu.dma_semaphore, #tpu.memory_space<semaphore_mem>>
        %dma_start3A_140 = arith.constant 0 : i32
        %dma_start3A_141 = tpu.memref_slice %arg11[%add3A_119, %dma_start3A_140] : memref<80x128xi32, #tpu.memory_space<vmem>> -> memref<1x128xi32, #tpu.memory_space<vmem>>
        %dma_start3A_142 = tpu.memref_squeeze %dma_start3A_141 : memref<1x128xi32, #tpu.memory_space<vmem>> -> memref<128xi32, #tpu.memory_space<vmem>>
        %dma_start3A_143 = arith.constant 0 : i32
        %dma_start3A_144 = arith.constant 0 : i32
        %dma_start3A_145 = tpu.memref_slice %arg17[%dma_start3A_143, %dma_start3A_144] : memref<10240x16xf32, #tpu.memory_space<vmem_shared>> -> memref<10240x16xf32, #tpu.memory_space<vmem_shared>>
        tpu.enqueue_indirect_dma source(%arg13 : memref<128x16xf32, #tpu.memory_space<vmem>>) target(%dma_start3A_145 : memref<10240x16xf32, #tpu.memory_space<vmem_shared>>) offsets(%dma_start3A_142 : memref<128xi32, #tpu.memory_space<vmem>>) semaphore(%run_scoped3A : memref<!tpu.dma_semaphore, #tpu.memory_space<semaphore_mem>>) {add = true}
        %dma_wait3A_146 = arith.constant 0 : i32
        %dma_wait3A_147 = tpu.memref_slice %arg11[%add3A_119, %dma_wait3A_146] : memref<80x128xi32, #tpu.memory_space<vmem>> -> memref<1x128xi32, #tpu.memory_space<vmem>>
        %dma_wait3A_148 = tpu.memref_squeeze %dma_wait3A_147 : memref<1x128xi32, #tpu.memory_space<vmem>> -> memref<128xi32, #tpu.memory_space<vmem>>
        %dma_wait3A_149 = arith.constant 0 : i32
        %dma_wait3A_150 = arith.constant 0 : i32
        %dma_wait3A_151 = tpu.memref_slice %arg17[%dma_wait3A_149, %dma_wait3A_150] : memref<10240x16xf32, #tpu.memory_space<vmem_shared>> -> memref<10240x16xf32, #tpu.memory_space<vmem_shared>>
        tpu.wait_indirect_dma semaphore(%run_scoped3A : memref<!tpu.dma_semaphore, #tpu.memory_space<semaphore_mem>>) src(%arg13 : memref<128x16xf32, #tpu.memory_space<vmem>>) dst(%dma_wait3A_151 : memref<10240x16xf32, #tpu.memory_space<vmem_shared>>)
        tpu.yield
      }) : () -> ()
      %mul3A_122 = arith.constant 4 : i32
      %mul3A_123 = arith.muli %scan3A_87, %mul3A_122 : i32
      %add3A_124 = arith.constant 1 : i32
      %add3A_125 = arith.addi %mul3A_123, %add3A_124 : i32
      %add3A_126 = arith.constant 128 : i32
      %add3A_127 = arith.addi %mul3A_99, %add3A_126 : i32
      "tpu.region"() ({
        %run_scoped3A = tpu.sem_alloc : memref<!tpu.dma_semaphore, #tpu.memory_space<semaphore_mem>>
        %dma_start3A_140 = arith.constant 0 : i32
        %dma_start3A_141 = tpu.memref_slice %arg12[%add3A_127, %dma_start3A_140] : memref<1024x32xf32, #tpu.memory_space<vmem>> -> memref<128x32xf32, #tpu.memory_space<vmem>>
        %dma_start3A_142 = arith.constant 0 : i32
        %dma_start3A_143 = tpu.memref_slice %arg11[%add3A_125, %dma_start3A_142] : memref<80x128xi32, #tpu.memory_space<vmem>> -> memref<1x128xi32, #tpu.memory_space<vmem>>
        %dma_start3A_144 = tpu.memref_squeeze %dma_start3A_143 : memref<1x128xi32, #tpu.memory_space<vmem>> -> memref<128xi32, #tpu.memory_space<vmem>>
        %dma_start3A_145 = arith.constant 0 : i32
        %dma_start3A_146 = arith.constant 0 : i32
        %dma_start3A_147 = tpu.memref_slice %arg16[%dma_start3A_145, %dma_start3A_146] : memref<10240x32xf32, #tpu.memory_space<vmem_shared>> -> memref<10240x32xf32, #tpu.memory_space<vmem_shared>>
        tpu.enqueue_indirect_dma source(%dma_start3A_141 : memref<128x32xf32, #tpu.memory_space<vmem>>) target(%dma_start3A_147 : memref<10240x32xf32, #tpu.memory_space<vmem_shared>>) offsets(%dma_start3A_144 : memref<128xi32, #tpu.memory_space<vmem>>) semaphore(%run_scoped3A : memref<!tpu.dma_semaphore, #tpu.memory_space<semaphore_mem>>) {add = true}
        %dma_wait3A_148 = arith.constant 0 : i32
        %dma_wait3A_149 = tpu.memref_slice %arg12[%add3A_127, %dma_wait3A_148] : memref<1024x32xf32, #tpu.memory_space<vmem>> -> memref<128x32xf32, #tpu.memory_space<vmem>>
        %dma_wait3A_150 = arith.constant 0 : i32
        %dma_wait3A_151 = tpu.memref_slice %arg11[%add3A_125, %dma_wait3A_150] : memref<80x128xi32, #tpu.memory_space<vmem>> -> memref<1x128xi32, #tpu.memory_space<vmem>>
        %dma_wait3A_152 = tpu.memref_squeeze %dma_wait3A_151 : memref<1x128xi32, #tpu.memory_space<vmem>> -> memref<128xi32, #tpu.memory_space<vmem>>
        %dma_wait3A_153 = arith.constant 0 : i32
        %dma_wait3A_154 = arith.constant 0 : i32
        %dma_wait3A_155 = tpu.memref_slice %arg16[%dma_wait3A_153, %dma_wait3A_154] : memref<10240x32xf32, #tpu.memory_space<vmem_shared>> -> memref<10240x32xf32, #tpu.memory_space<vmem_shared>>
        tpu.wait_indirect_dma semaphore(%run_scoped3A : memref<!tpu.dma_semaphore, #tpu.memory_space<semaphore_mem>>) src(%dma_wait3A_149 : memref<128x32xf32, #tpu.memory_space<vmem>>) dst(%dma_wait3A_155 : memref<10240x32xf32, #tpu.memory_space<vmem_shared>>)
        tpu.yield
      }) : () -> ()
      "tpu.region"() ({
        %run_scoped3A = tpu.sem_alloc : memref<!tpu.dma_semaphore, #tpu.memory_space<semaphore_mem>>
        %dma_start3A_140 = arith.constant 0 : i32
        %dma_start3A_141 = tpu.memref_slice %arg11[%add3A_125, %dma_start3A_140] : memref<80x128xi32, #tpu.memory_space<vmem>> -> memref<1x128xi32, #tpu.memory_space<vmem>>
        %dma_start3A_142 = tpu.memref_squeeze %dma_start3A_141 : memref<1x128xi32, #tpu.memory_space<vmem>> -> memref<128xi32, #tpu.memory_space<vmem>>
        %dma_start3A_143 = arith.constant 0 : i32
        %dma_start3A_144 = arith.constant 0 : i32
        %dma_start3A_145 = tpu.memref_slice %arg17[%dma_start3A_143, %dma_start3A_144] : memref<10240x16xf32, #tpu.memory_space<vmem_shared>> -> memref<10240x16xf32, #tpu.memory_space<vmem_shared>>
        tpu.enqueue_indirect_dma source(%arg13 : memref<128x16xf32, #tpu.memory_space<vmem>>) target(%dma_start3A_145 : memref<10240x16xf32, #tpu.memory_space<vmem_shared>>) offsets(%dma_start3A_142 : memref<128xi32, #tpu.memory_space<vmem>>) semaphore(%run_scoped3A : memref<!tpu.dma_semaphore, #tpu.memory_space<semaphore_mem>>) {add = true}
        %dma_wait3A_146 = arith.constant 0 : i32
        %dma_wait3A_147 = tpu.memref_slice %arg11[%add3A_125, %dma_wait3A_146] : memref<80x128xi32, #tpu.memory_space<vmem>> -> memref<1x128xi32, #tpu.memory_space<vmem>>
        %dma_wait3A_148 = tpu.memref_squeeze %dma_wait3A_147 : memref<1x128xi32, #tpu.memory_space<vmem>> -> memref<128xi32, #tpu.memory_space<vmem>>
        %dma_wait3A_149 = arith.constant 0 : i32
        %dma_wait3A_150 = arith.constant 0 : i32
        %dma_wait3A_151 = tpu.memref_slice %arg17[%dma_wait3A_149, %dma_wait3A_150] : memref<10240x16xf32, #tpu.memory_space<vmem_shared>> -> memref<10240x16xf32, #tpu.memory_space<vmem_shared>>
        tpu.wait_indirect_dma semaphore(%run_scoped3A : memref<!tpu.dma_semaphore, #tpu.memory_space<semaphore_mem>>) src(%arg13 : memref<128x16xf32, #tpu.memory_space<vmem>>) dst(%dma_wait3A_151 : memref<10240x16xf32, #tpu.memory_space<vmem_shared>>)
        tpu.yield
      }) : () -> ()
      %mul3A_128 = arith.constant 4 : i32
      %mul3A_129 = arith.muli %scan3A_87, %mul3A_128 : i32
      %add3A_130 = arith.constant 2 : i32
      %add3A_131 = arith.addi %mul3A_129, %add3A_130 : i32
      %add3A_132 = arith.constant 256 : i32
      %add3A_133 = arith.addi %mul3A_99, %add3A_132 : i32
      "tpu.region"() ({
        %run_scoped3A = tpu.sem_alloc : memref<!tpu.dma_semaphore, #tpu.memory_space<semaphore_mem>>
        %dma_start3A_140 = arith.constant 0 : i32
        %dma_start3A_141 = tpu.memref_slice %arg12[%add3A_133, %dma_start3A_140] : memref<1024x32xf32, #tpu.memory_space<vmem>> -> memref<128x32xf32, #tpu.memory_space<vmem>>
        %dma_start3A_142 = arith.constant 0 : i32
        %dma_start3A_143 = tpu.memref_slice %arg11[%add3A_131, %dma_start3A_142] : memref<80x128xi32, #tpu.memory_space<vmem>> -> memref<1x128xi32, #tpu.memory_space<vmem>>
        %dma_start3A_144 = tpu.memref_squeeze %dma_start3A_143 : memref<1x128xi32, #tpu.memory_space<vmem>> -> memref<128xi32, #tpu.memory_space<vmem>>
        %dma_start3A_145 = arith.constant 0 : i32
        %dma_start3A_146 = arith.constant 0 : i32
        %dma_start3A_147 = tpu.memref_slice %arg16[%dma_start3A_145, %dma_start3A_146] : memref<10240x32xf32, #tpu.memory_space<vmem_shared>> -> memref<10240x32xf32, #tpu.memory_space<vmem_shared>>
        tpu.enqueue_indirect_dma source(%dma_start3A_141 : memref<128x32xf32, #tpu.memory_space<vmem>>) target(%dma_start3A_147 : memref<10240x32xf32, #tpu.memory_space<vmem_shared>>) offsets(%dma_start3A_144 : memref<128xi32, #tpu.memory_space<vmem>>) semaphore(%run_scoped3A : memref<!tpu.dma_semaphore, #tpu.memory_space<semaphore_mem>>) {add = true}
        %dma_wait3A_148 = arith.constant 0 : i32
        %dma_wait3A_149 = tpu.memref_slice %arg12[%add3A_133, %dma_wait3A_148] : memref<1024x32xf32, #tpu.memory_space<vmem>> -> memref<128x32xf32, #tpu.memory_space<vmem>>
        %dma_wait3A_150 = arith.constant 0 : i32
        %dma_wait3A_151 = tpu.memref_slice %arg11[%add3A_131, %dma_wait3A_150] : memref<80x128xi32, #tpu.memory_space<vmem>> -> memref<1x128xi32, #tpu.memory_space<vmem>>
        %dma_wait3A_152 = tpu.memref_squeeze %dma_wait3A_151 : memref<1x128xi32, #tpu.memory_space<vmem>> -> memref<128xi32, #tpu.memory_space<vmem>>
        %dma_wait3A_153 = arith.constant 0 : i32
        %dma_wait3A_154 = arith.constant 0 : i32
        %dma_wait3A_155 = tpu.memref_slice %arg16[%dma_wait3A_153, %dma_wait3A_154] : memref<10240x32xf32, #tpu.memory_space<vmem_shared>> -> memref<10240x32xf32, #tpu.memory_space<vmem_shared>>
        tpu.wait_indirect_dma semaphore(%run_scoped3A : memref<!tpu.dma_semaphore, #tpu.memory_space<semaphore_mem>>) src(%dma_wait3A_149 : memref<128x32xf32, #tpu.memory_space<vmem>>) dst(%dma_wait3A_155 : memref<10240x32xf32, #tpu.memory_space<vmem_shared>>)
        tpu.yield
      }) : () -> ()
      "tpu.region"() ({
        %run_scoped3A = tpu.sem_alloc : memref<!tpu.dma_semaphore, #tpu.memory_space<semaphore_mem>>
        %dma_start3A_140 = arith.constant 0 : i32
        %dma_start3A_141 = tpu.memref_slice %arg11[%add3A_131, %dma_start3A_140] : memref<80x128xi32, #tpu.memory_space<vmem>> -> memref<1x128xi32, #tpu.memory_space<vmem>>
        %dma_start3A_142 = tpu.memref_squeeze %dma_start3A_141 : memref<1x128xi32, #tpu.memory_space<vmem>> -> memref<128xi32, #tpu.memory_space<vmem>>
        %dma_start3A_143 = arith.constant 0 : i32
        %dma_start3A_144 = arith.constant 0 : i32
        %dma_start3A_145 = tpu.memref_slice %arg17[%dma_start3A_143, %dma_start3A_144] : memref<10240x16xf32, #tpu.memory_space<vmem_shared>> -> memref<10240x16xf32, #tpu.memory_space<vmem_shared>>
        tpu.enqueue_indirect_dma source(%arg13 : memref<128x16xf32, #tpu.memory_space<vmem>>) target(%dma_start3A_145 : memref<10240x16xf32, #tpu.memory_space<vmem_shared>>) offsets(%dma_start3A_142 : memref<128xi32, #tpu.memory_space<vmem>>) semaphore(%run_scoped3A : memref<!tpu.dma_semaphore, #tpu.memory_space<semaphore_mem>>) {add = true}
        %dma_wait3A_146 = arith.constant 0 : i32
        %dma_wait3A_147 = tpu.memref_slice %arg11[%add3A_131, %dma_wait3A_146] : memref<80x128xi32, #tpu.memory_space<vmem>> -> memref<1x128xi32, #tpu.memory_space<vmem>>
        %dma_wait3A_148 = tpu.memref_squeeze %dma_wait3A_147 : memref<1x128xi32, #tpu.memory_space<vmem>> -> memref<128xi32, #tpu.memory_space<vmem>>
        %dma_wait3A_149 = arith.constant 0 : i32
        %dma_wait3A_150 = arith.constant 0 : i32
        %dma_wait3A_151 = tpu.memref_slice %arg17[%dma_wait3A_149, %dma_wait3A_150] : memref<10240x16xf32, #tpu.memory_space<vmem_shared>> -> memref<10240x16xf32, #tpu.memory_space<vmem_shared>>
        tpu.wait_indirect_dma semaphore(%run_scoped3A : memref<!tpu.dma_semaphore, #tpu.memory_space<semaphore_mem>>) src(%arg13 : memref<128x16xf32, #tpu.memory_space<vmem>>) dst(%dma_wait3A_151 : memref<10240x16xf32, #tpu.memory_space<vmem_shared>>)
        tpu.yield
      }) : () -> ()
      %mul3A_134 = arith.constant 4 : i32
      %mul3A_135 = arith.muli %scan3A_87, %mul3A_134 : i32
      %add3A_136 = arith.constant 3 : i32
      %add3A_137 = arith.addi %mul3A_135, %add3A_136 : i32
      %add3A_138 = arith.constant 384 : i32
      %add3A_139 = arith.addi %mul3A_99, %add3A_138 : i32
      "tpu.region"() ({
        %run_scoped3A = tpu.sem_alloc : memref<!tpu.dma_semaphore, #tpu.memory_space<semaphore_mem>>
        %dma_start3A_140 = arith.constant 0 : i32
        %dma_start3A_141 = tpu.memref_slice %arg12[%add3A_139, %dma_start3A_140] : memref<1024x32xf32, #tpu.memory_space<vmem>> -> memref<128x32xf32, #tpu.memory_space<vmem>>
        %dma_start3A_142 = arith.constant 0 : i32
        %dma_start3A_143 = tpu.memref_slice %arg11[%add3A_137, %dma_start3A_142] : memref<80x128xi32, #tpu.memory_space<vmem>> -> memref<1x128xi32, #tpu.memory_space<vmem>>
        %dma_start3A_144 = tpu.memref_squeeze %dma_start3A_143 : memref<1x128xi32, #tpu.memory_space<vmem>> -> memref<128xi32, #tpu.memory_space<vmem>>
        %dma_start3A_145 = arith.constant 0 : i32
        %dma_start3A_146 = arith.constant 0 : i32
        %dma_start3A_147 = tpu.memref_slice %arg16[%dma_start3A_145, %dma_start3A_146] : memref<10240x32xf32, #tpu.memory_space<vmem_shared>> -> memref<10240x32xf32, #tpu.memory_space<vmem_shared>>
        tpu.enqueue_indirect_dma source(%dma_start3A_141 : memref<128x32xf32, #tpu.memory_space<vmem>>) target(%dma_start3A_147 : memref<10240x32xf32, #tpu.memory_space<vmem_shared>>) offsets(%dma_start3A_144 : memref<128xi32, #tpu.memory_space<vmem>>) semaphore(%run_scoped3A : memref<!tpu.dma_semaphore, #tpu.memory_space<semaphore_mem>>) {add = true}
        %dma_wait3A_148 = arith.constant 0 : i32
        %dma_wait3A_149 = tpu.memref_slice %arg12[%add3A_139, %dma_wait3A_148] : memref<1024x32xf32, #tpu.memory_space<vmem>> -> memref<128x32xf32, #tpu.memory_space<vmem>>
        %dma_wait3A_150 = arith.constant 0 : i32
        %dma_wait3A_151 = tpu.memref_slice %arg11[%add3A_137, %dma_wait3A_150] : memref<80x128xi32, #tpu.memory_space<vmem>> -> memref<1x128xi32, #tpu.memory_space<vmem>>
        %dma_wait3A_152 = tpu.memref_squeeze %dma_wait3A_151 : memref<1x128xi32, #tpu.memory_space<vmem>> -> memref<128xi32, #tpu.memory_space<vmem>>
        %dma_wait3A_153 = arith.constant 0 : i32
        %dma_wait3A_154 = arith.constant 0 : i32
        %dma_wait3A_155 = tpu.memref_slice %arg16[%dma_wait3A_153, %dma_wait3A_154] : memref<10240x32xf32, #tpu.memory_space<vmem_shared>> -> memref<10240x32xf32, #tpu.memory_space<vmem_shared>>
        tpu.wait_indirect_dma semaphore(%run_scoped3A : memref<!tpu.dma_semaphore, #tpu.memory_space<semaphore_mem>>) src(%dma_wait3A_149 : memref<128x32xf32, #tpu.memory_space<vmem>>) dst(%dma_wait3A_155 : memref<10240x32xf32, #tpu.memory_space<vmem_shared>>)
        tpu.yield
      }) : () -> ()
      "tpu.region"() ({
        %run_scoped3A = tpu.sem_alloc : memref<!tpu.dma_semaphore, #tpu.memory_space<semaphore_mem>>
        %dma_start3A_140 = arith.constant 0 : i32
        %dma_start3A_141 = tpu.memref_slice %arg11[%add3A_137, %dma_start3A_140] : memref<80x128xi32, #tpu.memory_space<vmem>> -> memref<1x128xi32, #tpu.memory_space<vmem>>
        %dma_start3A_142 = tpu.memref_squeeze %dma_start3A_141 : memref<1x128xi32, #tpu.memory_space<vmem>> -> memref<128xi32, #tpu.memory_space<vmem>>
        %dma_start3A_143 = arith.constant 0 : i32
        %dma_start3A_144 = arith.constant 0 : i32
        %dma_start3A_145 = tpu.memref_slice %arg17[%dma_start3A_143, %dma_start3A_144] : memref<10240x16xf32, #tpu.memory_space<vmem_shared>> -> memref<10240x16xf32, #tpu.memory_space<vmem_shared>>
        tpu.enqueue_indirect_dma source(%arg13 : memref<128x16xf32, #tpu.memory_space<vmem>>) target(%dma_start3A_145 : memref<10240x16xf32, #tpu.memory_space<vmem_shared>>) offsets(%dma_start3A_142 : memref<128xi32, #tpu.memory_space<vmem>>) semaphore(%run_scoped3A : memref<!tpu.dma_semaphore, #tpu.memory_space<semaphore_mem>>) {add = true}
        %dma_wait3A_146 = arith.constant 0 : i32
        %dma_wait3A_147 = tpu.memref_slice %arg11[%add3A_137, %dma_wait3A_146] : memref<80x128xi32, #tpu.memory_space<vmem>> -> memref<1x128xi32, #tpu.memory_space<vmem>>
        %dma_wait3A_148 = tpu.memref_squeeze %dma_wait3A_147 : memref<1x128xi32, #tpu.memory_space<vmem>> -> memref<128xi32, #tpu.memory_space<vmem>>
        %dma_wait3A_149 = arith.constant 0 : i32
        %dma_wait3A_150 = arith.constant 0 : i32
        %dma_wait3A_151 = tpu.memref_slice %arg17[%dma_wait3A_149, %dma_wait3A_150] : memref<10240x16xf32, #tpu.memory_space<vmem_shared>> -> memref<10240x16xf32, #tpu.memory_space<vmem_shared>>
        tpu.wait_indirect_dma semaphore(%run_scoped3A : memref<!tpu.dma_semaphore, #tpu.memory_space<semaphore_mem>>) src(%arg13 : memref<128x16xf32, #tpu.memory_space<vmem>>) dst(%dma_wait3A_151 : memref<10240x16xf32, #tpu.memory_space<vmem_shared>>)
        tpu.yield
      }) : () -> ()
    }
    %scan3A_32 = arith.constant 20 : i32
    %barrier3A_33 = arith.constant 0 : index
    tpu.barrier barrier_id(%barrier3A_33)
    "tpu.region"() ({
      %run_scoped3A = tpu.sem_alloc : memref<!tpu.dma_semaphore, #tpu.memory_space<semaphore_mem>>
      %dma_start3A_87 = arith.constant 0 : i32
      %dma_start3A_88 = tpu.memref_slice %arg17[%mul3A_4, %dma_start3A_87] : memref<10240x16xf32, #tpu.memory_space<vmem_shared>> -> memref<640x16xf32, #tpu.memory_space<vmem_shared>>
      %dma_start3A_89 = arith.constant 0 : i32
      %dma_start3A_90 = tpu.memref_slice %arg17[%mul3A_4, %dma_start3A_89] : memref<10240x16xf32, #tpu.memory_space<vmem_shared>> -> memref<640x16xf32, #tpu.memory_space<vmem_shared>>
      tpu.enqueue_dma source(%dma_start3A_90 : memref<640x16xf32, #tpu.memory_space<vmem_shared>>) target(%arg15 : memref<640x16xf32, #tpu.memory_space<vmem>>) target_semaphore(%run_scoped3A : memref<!tpu.dma_semaphore, #tpu.memory_space<semaphore_mem>>)
      %dma_wait3A = arith.constant 0 : i32
      %dma_wait3A_91 = tpu.memref_slice %arg17[%mul3A_4, %dma_wait3A] : memref<10240x16xf32, #tpu.memory_space<vmem_shared>> -> memref<640x16xf32, #tpu.memory_space<vmem_shared>>
      %dma_wait3A_92 = arith.constant 0 : i32
      %dma_wait3A_93 = tpu.memref_slice %arg17[%mul3A_4, %dma_wait3A_92] : memref<10240x16xf32, #tpu.memory_space<vmem_shared>> -> memref<640x16xf32, #tpu.memory_space<vmem_shared>>
      tpu.wait_dma2 semaphore(%run_scoped3A : memref<!tpu.dma_semaphore, #tpu.memory_space<semaphore_mem>>) src(%dma_wait3A_93 : memref<640x16xf32, #tpu.memory_space<vmem_shared>>) dst(%arg15 : memref<640x16xf32, #tpu.memory_space<vmem>>)
      tpu.yield
    }) : () -> ()
    %eq3A = arith.constant 0 : i32
    %eq3A_34 = arith.cmpi eq, %arg0, %eq3A : i32
    %convert_element_type3A = arith.extui %eq3A_34 : i1 to i32
    %cond3A = arith.constant 0 : i32
    %cond3A_35 = arith.cmpi ne, %convert_element_type3A, %cond3A : i32
    scf.if %cond3A_35 {
      "tpu.region"() ({
        %run_scoped3A = tpu.sem_alloc : memref<!tpu.dma_semaphore, #tpu.memory_space<semaphore_mem>>
        %dma_start3A_87 = arith.constant 0 : i32
        %dma_start3A_88 = tpu.memref_slice %arg9[%mul3A_4, %dma_start3A_87] : memref<10240x16xf32, #tpu.memory_space<hbm>> -> memref<640x16xf32, #tpu.memory_space<hbm>>
        %dma_start3A_89 = arith.constant 0 : i32
        %dma_start3A_90 = tpu.memref_slice %arg9[%mul3A_4, %dma_start3A_89] : memref<10240x16xf32, #tpu.memory_space<hbm>> -> memref<640x16xf32, #tpu.memory_space<hbm>>
        tpu.enqueue_dma source(%arg15 : memref<640x16xf32, #tpu.memory_space<vmem>>) target(%dma_start3A_90 : memref<640x16xf32, #tpu.memory_space<hbm>>) target_semaphore(%run_scoped3A : memref<!tpu.dma_semaphore, #tpu.memory_space<semaphore_mem>>)
        %dma_wait3A = arith.constant 0 : i32
        %dma_wait3A_91 = tpu.memref_slice %arg9[%mul3A_4, %dma_wait3A] : memref<10240x16xf32, #tpu.memory_space<hbm>> -> memref<640x16xf32, #tpu.memory_space<hbm>>
        %dma_wait3A_92 = arith.constant 0 : i32
        %dma_wait3A_93 = tpu.memref_slice %arg9[%mul3A_4, %dma_wait3A_92] : memref<10240x16xf32, #tpu.memory_space<hbm>> -> memref<640x16xf32, #tpu.memory_space<hbm>>
        tpu.wait_dma2 semaphore(%run_scoped3A : memref<!tpu.dma_semaphore, #tpu.memory_space<semaphore_mem>>) src(%arg15 : memref<640x16xf32, #tpu.memory_space<vmem>>) dst(%dma_wait3A_93 : memref<640x16xf32, #tpu.memory_space<hbm>>)
        tpu.yield
      }) : () -> ()
    } else {
    }
    %eq3A_36 = arith.constant 1 : i32
    %eq3A_37 = arith.cmpi eq, %arg0, %eq3A_36 : i32
    %convert_element_type3A_38 = arith.extui %eq3A_37 : i1 to i32
    %cond3A_39 = arith.constant 0 : i32
    %cond3A_40 = arith.cmpi ne, %convert_element_type3A_38, %cond3A_39 : i32
    scf.if %cond3A_40 {
      "tpu.region"() ({
        %run_scoped3A = tpu.sem_alloc : memref<!tpu.dma_semaphore, #tpu.memory_space<semaphore_mem>>
        %dma_start3A_87 = arith.constant 0 : i32
        %dma_start3A_88 = tpu.memref_slice %arg10[%mul3A_4, %dma_start3A_87] : memref<10240x16xf32, #tpu.memory_space<hbm>> -> memref<640x16xf32, #tpu.memory_space<hbm>>
        %dma_start3A_89 = arith.constant 0 : i32
        %dma_start3A_90 = tpu.memref_slice %arg10[%mul3A_4, %dma_start3A_89] : memref<10240x16xf32, #tpu.memory_space<hbm>> -> memref<640x16xf32, #tpu.memory_space<hbm>>
        tpu.enqueue_dma source(%arg15 : memref<640x16xf32, #tpu.memory_space<vmem>>) target(%dma_start3A_90 : memref<640x16xf32, #tpu.memory_space<hbm>>) target_semaphore(%run_scoped3A : memref<!tpu.dma_semaphore, #tpu.memory_space<semaphore_mem>>)
        %dma_wait3A = arith.constant 0 : i32
        %dma_wait3A_91 = tpu.memref_slice %arg10[%mul3A_4, %dma_wait3A] : memref<10240x16xf32, #tpu.memory_space<hbm>> -> memref<640x16xf32, #tpu.memory_space<hbm>>
        %dma_wait3A_92 = arith.constant 0 : i32
        %dma_wait3A_93 = tpu.memref_slice %arg10[%mul3A_4, %dma_wait3A_92] : memref<10240x16xf32, #tpu.memory_space<hbm>> -> memref<640x16xf32, #tpu.memory_space<hbm>>
        tpu.wait_dma2 semaphore(%run_scoped3A : memref<!tpu.dma_semaphore, #tpu.memory_space<semaphore_mem>>) src(%arg15 : memref<640x16xf32, #tpu.memory_space<vmem>>) dst(%dma_wait3A_93 : memref<640x16xf32, #tpu.memory_space<hbm>>)
        tpu.yield
      }) : () -> ()
    } else {
    }
    "tpu.region"() ({
      %run_scoped3A = tpu.sem_alloc : memref<!tpu.dma_semaphore, #tpu.memory_space<semaphore_mem>>
      %dma_start3A_87 = arith.constant 0 : i32
      %dma_start3A_88 = tpu.memref_slice %arg16[%mul3A_4, %dma_start3A_87] : memref<10240x32xf32, #tpu.memory_space<vmem_shared>> -> memref<640x32xf32, #tpu.memory_space<vmem_shared>>
      %dma_start3A_89 = arith.constant 0 : i32
      %dma_start3A_90 = tpu.memref_slice %arg16[%mul3A_4, %dma_start3A_89] : memref<10240x32xf32, #tpu.memory_space<vmem_shared>> -> memref<640x32xf32, #tpu.memory_space<vmem_shared>>
      tpu.enqueue_dma source(%dma_start3A_90 : memref<640x32xf32, #tpu.memory_space<vmem_shared>>) target(%arg14 : memref<640x32xf32, #tpu.memory_space<vmem>>) target_semaphore(%run_scoped3A : memref<!tpu.dma_semaphore, #tpu.memory_space<semaphore_mem>>)
      %dma_wait3A = arith.constant 0 : i32
      %dma_wait3A_91 = tpu.memref_slice %arg16[%mul3A_4, %dma_wait3A] : memref<10240x32xf32, #tpu.memory_space<vmem_shared>> -> memref<640x32xf32, #tpu.memory_space<vmem_shared>>
      %dma_wait3A_92 = arith.constant 0 : i32
      %dma_wait3A_93 = tpu.memref_slice %arg16[%mul3A_4, %dma_wait3A_92] : memref<10240x32xf32, #tpu.memory_space<vmem_shared>> -> memref<640x32xf32, #tpu.memory_space<vmem_shared>>
      tpu.wait_dma2 semaphore(%run_scoped3A : memref<!tpu.dma_semaphore, #tpu.memory_space<semaphore_mem>>) src(%dma_wait3A_93 : memref<640x32xf32, #tpu.memory_space<vmem_shared>>) dst(%arg14 : memref<640x32xf32, #tpu.memory_space<vmem>>)
      tpu.yield
    }) : () -> ()
    %eq3A_41 = arith.constant 0 : i32
    %eq3A_42 = arith.cmpi eq, %arg0, %eq3A_41 : i32
    %convert_element_type3A_43 = arith.extui %eq3A_42 : i1 to i32
    %cond3A_44 = arith.constant 0 : i32
    %cond3A_45 = arith.cmpi ne, %convert_element_type3A_43, %cond3A_44 : i32
    scf.if %cond3A_45 {
      "tpu.region"() ({
        %run_scoped3A = tpu.sem_alloc : memref<!tpu.dma_semaphore, #tpu.memory_space<semaphore_mem>>
        %dma_start3A_87 = arith.constant 0 : i32
        %dma_start3A_88 = tpu.memref_slice %arg5[%mul3A_4, %dma_start3A_87] : memref<10240x32xf32, #tpu.memory_space<hbm>> -> memref<640x32xf32, #tpu.memory_space<hbm>>
        %dma_start3A_89 = arith.constant 0 : i32
        %dma_start3A_90 = tpu.memref_slice %arg5[%mul3A_4, %dma_start3A_89] : memref<10240x32xf32, #tpu.memory_space<hbm>> -> memref<640x32xf32, #tpu.memory_space<hbm>>
        tpu.enqueue_dma source(%arg14 : memref<640x32xf32, #tpu.memory_space<vmem>>) target(%dma_start3A_90 : memref<640x32xf32, #tpu.memory_space<hbm>>) target_semaphore(%run_scoped3A : memref<!tpu.dma_semaphore, #tpu.memory_space<semaphore_mem>>)
        %dma_wait3A = arith.constant 0 : i32
        %dma_wait3A_91 = tpu.memref_slice %arg5[%mul3A_4, %dma_wait3A] : memref<10240x32xf32, #tpu.memory_space<hbm>> -> memref<640x32xf32, #tpu.memory_space<hbm>>
        %dma_wait3A_92 = arith.constant 0 : i32
        %dma_wait3A_93 = tpu.memref_slice %arg5[%mul3A_4, %dma_wait3A_92] : memref<10240x32xf32, #tpu.memory_space<hbm>> -> memref<640x32xf32, #tpu.memory_space<hbm>>
        tpu.wait_dma2 semaphore(%run_scoped3A : memref<!tpu.dma_semaphore, #tpu.memory_space<semaphore_mem>>) src(%arg14 : memref<640x32xf32, #tpu.memory_space<vmem>>) dst(%dma_wait3A_93 : memref<640x32xf32, #tpu.memory_space<hbm>>)
        tpu.yield
      }) : () -> ()
    } else {
    }
    %eq3A_46 = arith.constant 1 : i32
    %eq3A_47 = arith.cmpi eq, %arg0, %eq3A_46 : i32
    %convert_element_type3A_48 = arith.extui %eq3A_47 : i1 to i32
    %cond3A_49 = arith.constant 0 : i32
    %cond3A_50 = arith.cmpi ne, %convert_element_type3A_48, %cond3A_49 : i32
    scf.if %cond3A_50 {
      "tpu.region"() ({
        %run_scoped3A = tpu.sem_alloc : memref<!tpu.dma_semaphore, #tpu.memory_space<semaphore_mem>>
        %dma_start3A_87 = arith.constant 0 : i32
        %dma_start3A_88 = tpu.memref_slice %arg6[%mul3A_4, %dma_start3A_87] : memref<10240x32xf32, #tpu.memory_space<hbm>> -> memref<640x32xf32, #tpu.memory_space<hbm>>
        %dma_start3A_89 = arith.constant 0 : i32
        %dma_start3A_90 = tpu.memref_slice %arg6[%mul3A_4, %dma_start3A_89] : memref<10240x32xf32, #tpu.memory_space<hbm>> -> memref<640x32xf32, #tpu.memory_space<hbm>>
        tpu.enqueue_dma source(%arg14 : memref<640x32xf32, #tpu.memory_space<vmem>>) target(%dma_start3A_90 : memref<640x32xf32, #tpu.memory_space<hbm>>) target_semaphore(%run_scoped3A : memref<!tpu.dma_semaphore, #tpu.memory_space<semaphore_mem>>)
        %dma_wait3A = arith.constant 0 : i32
        %dma_wait3A_91 = tpu.memref_slice %arg6[%mul3A_4, %dma_wait3A] : memref<10240x32xf32, #tpu.memory_space<hbm>> -> memref<640x32xf32, #tpu.memory_space<hbm>>
        %dma_wait3A_92 = arith.constant 0 : i32
        %dma_wait3A_93 = tpu.memref_slice %arg6[%mul3A_4, %dma_wait3A_92] : memref<10240x32xf32, #tpu.memory_space<hbm>> -> memref<640x32xf32, #tpu.memory_space<hbm>>
        tpu.wait_dma2 semaphore(%run_scoped3A : memref<!tpu.dma_semaphore, #tpu.memory_space<semaphore_mem>>) src(%arg14 : memref<640x32xf32, #tpu.memory_space<vmem>>) dst(%dma_wait3A_93 : memref<640x32xf32, #tpu.memory_space<hbm>>)
        tpu.yield
      }) : () -> ()
    } else {
    }
    %scan3A_51 = arith.constant 0 : i32
    %scan3A_52 = arith.constant 0 : i32
    %scan3A_53 = arith.constant 640 : i32
    %scan3A_54 = arith.addi %scan3A_52, %scan3A_53 : i32
    %scan3A_55 = arith.constant 1 : i32
    scf.for %scan3A_87 = %scan3A_52 to %scan3A_54 step %scan3A_55  : i32 {
      %broadcast_in_dim3A = arith.constant 0.000000e+00 : f32
      %broadcast_in_dim3A_88 = vector.broadcast %broadcast_in_dim3A : f32 to vector<16xf32>
      %swap3A = arith.index_cast %scan3A_87 : i32 to index
      %swap3A_89 = arith.constant 0 : index
      %swap3A_90 = tpu.vector_load %arg14[%swap3A, %swap3A_89] {strides = array<i32>} : memref<640x32xf32, #tpu.memory_space<vmem>>, vector<1x16xf32>,
      %swap3A_91 = vector.shape_cast %swap3A_90 : vector<1x16xf32> to vector<16xf32>
      %swap3A_92 = vector.shape_cast %broadcast_in_dim3A_88 : vector<16xf32> to vector<1x16xf32>
      tpu.vector_store %arg14[%swap3A, %swap3A_89], %swap3A_92 {strides = array<i32>} : memref<640x32xf32, #tpu.memory_space<vmem>>, vector<1x16xf32>,
      %broadcast_in_dim3A_93 = arith.constant 0.000000e+00 : f32
      %broadcast_in_dim3A_94 = vector.broadcast %broadcast_in_dim3A_93 : f32 to vector<16xf32>
      %swap3A_95 = arith.index_cast %scan3A_87 : i32 to index
      %swap3A_96 = arith.constant 16 : index
      %swap3A_97 = tpu.vector_load %arg14[%swap3A_95, %swap3A_96] {strides = array<i32>} : memref<640x32xf32, #tpu.memory_space<vmem>>, vector<1x16xf32>,
      %swap3A_98 = vector.shape_cast %swap3A_97 : vector<1x16xf32> to vector<16xf32>
      %swap3A_99 = vector.shape_cast %broadcast_in_dim3A_94 : vector<16xf32> to vector<1x16xf32>
      tpu.vector_store %arg14[%swap3A_95, %swap3A_96], %swap3A_99 {strides = array<i32>} : memref<640x32xf32, #tpu.memory_space<vmem>>, vector<1x16xf32>,
    }
    %scan3A_56 = arith.constant 640 : i32
    "tpu.region"() ({
      %run_scoped3A = tpu.sem_alloc : memref<!tpu.dma_semaphore, #tpu.memory_space<semaphore_mem>>
      %dma_start3A_87 = arith.constant 0 : i32
      %dma_start3A_88 = tpu.memref_slice %arg16[%mul3A_4, %dma_start3A_87] : memref<10240x32xf32, #tpu.memory_space<vmem_shared>> -> memref<640x32xf32, #tpu.memory_space<vmem_shared>>
      %dma_start3A_89 = arith.constant 0 : i32
      %dma_start3A_90 = tpu.memref_slice %arg16[%mul3A_4, %dma_start3A_89] : memref<10240x32xf32, #tpu.memory_space<vmem_shared>> -> memref<640x32xf32, #tpu.memory_space<vmem_shared>>
      tpu.enqueue_dma source(%arg14 : memref<640x32xf32, #tpu.memory_space<vmem>>) target(%dma_start3A_90 : memref<640x32xf32, #tpu.memory_space<vmem_shared>>) target_semaphore(%run_scoped3A : memref<!tpu.dma_semaphore, #tpu.memory_space<semaphore_mem>>)
      %dma_wait3A = arith.constant 0 : i32
      %dma_wait3A_91 = tpu.memref_slice %arg16[%mul3A_4, %dma_wait3A] : memref<10240x32xf32, #tpu.memory_space<vmem_shared>> -> memref<640x32xf32, #tpu.memory_space<vmem_shared>>
      %dma_wait3A_92 = arith.constant 0 : i32
      %dma_wait3A_93 = tpu.memref_slice %arg16[%mul3A_4, %dma_wait3A_92] : memref<10240x32xf32, #tpu.memory_space<vmem_shared>> -> memref<640x32xf32, #tpu.memory_space<vmem_shared>>
      tpu.wait_dma2 semaphore(%run_scoped3A : memref<!tpu.dma_semaphore, #tpu.memory_space<semaphore_mem>>) src(%arg14 : memref<640x32xf32, #tpu.memory_space<vmem>>) dst(%dma_wait3A_93 : memref<640x32xf32, #tpu.memory_space<vmem_shared>>)
      tpu.yield
    }) : () -> ()
    %barrier3A_57 = arith.constant 0 : index
    tpu.barrier barrier_id(%barrier3A_57)
    %mul3A_58 = arith.constant 128 : i32
    %mul3A_59 = arith.muli %mul3A_2, %mul3A_58 : i32
    %dma_start3A_60 = arith.constant 0 : i32
    %dma_start3A_61 = arith.constant 0 : i32
    %dma_start3A_62 = tpu.memref_slice %arg12[%dma_start3A_60, %dma_start3A_61] : memref<1024x32xf32, #tpu.memory_space<vmem>> -> memref<512x32xf32, #tpu.memory_space<vmem>>
    %dma_start3A_63 = arith.constant 0 : i32
    %dma_start3A_64 = tpu.memref_slice %arg4[%mul3A_59, %dma_start3A_63] : memref<327680x32xf32, #tpu.memory_space<hbm>> -> memref<512x32xf32, #tpu.memory_space<hbm>>
    %dma_start3A_65 = arith.constant 0 : i32
    %dma_start3A_66 = arith.constant 0 : i32
    %dma_start3A_67 = tpu.memref_slice %arg12[%dma_start3A_65, %dma_start3A_66] : memref<1024x32xf32, #tpu.memory_space<vmem>> -> memref<512x32xf32, #tpu.memory_space<vmem>>
    %dma_start3A_68 = arith.constant 0 : i32
    %dma_start3A_69 = tpu.memref_slice %arg4[%mul3A_59, %dma_start3A_68] : memref<327680x32xf32, #tpu.memory_space<hbm>> -> memref<512x32xf32, #tpu.memory_space<hbm>>
    tpu.enqueue_dma source(%dma_start3A_69 : memref<512x32xf32, #tpu.memory_space<hbm>>) target(%dma_start3A_67 : memref<512x32xf32, #tpu.memory_space<vmem>>) target_semaphore(%arg18 : memref<!tpu.dma_semaphore, #tpu.memory_space<semaphore_mem>>)
    %scan3A_70 = arith.constant 0 : i32
    %scan3A_71 = arith.constant 0 : i32
    %scan3A_72 = arith.constant 20 : i32
    %scan3A_73 = arith.addi %scan3A_71, %scan3A_72 : i32
    %scan3A_74 = arith.constant 1 : i32
    scf.for %scan3A_87 = %scan3A_71 to %scan3A_73 step %scan3A_74  : i32 {
      %jit3A = arith.constant 2 : i32
      %eq3A_88 = arith.constant 0 : i32
      %eq3A_89 = arith.cmpi eq, %jit3A, %eq3A_88 : i32
      %jit3A_90 = arith.constant 1 : i32
      %select_n3A = arith.select %eq3A_89, %jit3A_90, %jit3A : i32
      %rem3A = arith.remsi %scan3A_87, %select_n3A : i32
      %ne3A = arith.constant 0 : i32
      %ne3A_91 = arith.cmpi ne, %rem3A, %ne3A : i32
      %lt3A = arith.constant 0 : i32
      %lt3A_92 = arith.cmpi slt, %rem3A, %lt3A : i32
      %lt3A_93 = arith.constant 0 : i32
      %lt3A_94 = arith.cmpi slt, %select_n3A, %lt3A_93 : i32
      %ne3A_95 = arith.xori %lt3A_92, %lt3A_94 : i1
      %and3A = arith.andi %ne3A_95, %ne3A_91 : i1
      %add3A_96 = arith.addi %rem3A, %select_n3A : i32
      %select_n3A_97 = arith.select %and3A, %add3A_96, %rem3A : i32
      %mul3A_98 = arith.constant 512 : i32
      %mul3A_99 = arith.muli %select_n3A_97, %mul3A_98 : i32
      %dma_wait3A = arith.constant 0 : i32
      %dma_wait3A_100 = tpu.memref_slice %arg12[%mul3A_99, %dma_wait3A] : memref<1024x32xf32, #tpu.memory_space<vmem>> -> memref<512x32xf32, #tpu.memory_space<vmem>>
      %dma_wait3A_101 = arith.constant 0 : i32
      %dma_wait3A_102 = arith.constant 0 : i32
      %dma_wait3A_103 = tpu.memref_slice %arg4[%dma_wait3A_101, %dma_wait3A_102] : memref<327680x32xf32, #tpu.memory_space<hbm>> -> memref<512x32xf32, #tpu.memory_space<hbm>>
      %dma_wait3A_104 = arith.constant 0 : i32
      %dma_wait3A_105 = tpu.memref_slice %arg12[%mul3A_99, %dma_wait3A_104] : memref<1024x32xf32, #tpu.memory_space<vmem>> -> memref<512x32xf32, #tpu.memory_space<vmem>>
      %dma_wait3A_106 = arith.constant 0 : i32
      %dma_wait3A_107 = arith.constant 0 : i32
      %dma_wait3A_108 = tpu.memref_slice %arg4[%dma_wait3A_106, %dma_wait3A_107] : memref<327680x32xf32, #tpu.memory_space<hbm>> -> memref<512x32xf32, #tpu.memory_space<hbm>>
      tpu.wait_dma2 semaphore(%arg18 : memref<!tpu.dma_semaphore, #tpu.memory_space<semaphore_mem>>) src(%dma_wait3A_108 : memref<512x32xf32, #tpu.memory_space<hbm>>) dst(%dma_wait3A_105 : memref<512x32xf32, #tpu.memory_space<vmem>>)
      %add3A_109 = arith.constant 1 : i32
      %add3A_110 = arith.addi %scan3A_87, %add3A_109 : i32
      %lt3A_111 = arith.constant 20 : i32
      %lt3A_112 = arith.cmpi slt, %add3A_110, %lt3A_111 : i32
      %convert_element_type3A_113 = arith.extui %lt3A_112 : i1 to i32
      %cond3A_114 = arith.constant 0 : i32
      %cond3A_115 = arith.cmpi ne, %convert_element_type3A_113, %cond3A_114 : i32
      scf.if %cond3A_115 {
        %add3A_140 = arith.constant 1 : i32
        %add3A_141 = arith.addi %scan3A_87, %add3A_140 : i32
        %jit3A_142 = arith.constant 2 : i32
        %eq3A_143 = arith.constant 0 : i32
        %eq3A_144 = arith.cmpi eq, %jit3A_142, %eq3A_143 : i32
        %jit3A_145 = arith.constant 1 : i32
        %select_n3A_146 = arith.select %eq3A_144, %jit3A_145, %jit3A_142 : i32
        %rem3A_147 = arith.remsi %add3A_141, %select_n3A_146 : i32
        %ne3A_148 = arith.constant 0 : i32
        %ne3A_149 = arith.cmpi ne, %rem3A_147, %ne3A_148 : i32
        %lt3A_150 = arith.constant 0 : i32
        %lt3A_151 = arith.cmpi slt, %rem3A_147, %lt3A_150 : i32
        %lt3A_152 = arith.constant 0 : i32
        %lt3A_153 = arith.cmpi slt, %select_n3A_146, %lt3A_152 : i32
        %ne3A_154 = arith.xori %lt3A_151, %lt3A_153 : i1
        %and3A_155 = arith.andi %ne3A_154, %ne3A_149 : i1
        %add3A_156 = arith.addi %rem3A_147, %select_n3A_146 : i32
        %select_n3A_157 = arith.select %and3A_155, %add3A_156, %rem3A_147 : i32
        %mul3A_158 = arith.constant 512 : i32
        %mul3A_159 = arith.muli %select_n3A_157, %mul3A_158 : i32
        %add3A_160 = arith.constant 1 : i32
        %add3A_161 = arith.addi %scan3A_87, %add3A_160 : i32
        %mul3A_162 = arith.constant 4 : i32
        %mul3A_163 = arith.muli %add3A_161, %mul3A_162 : i32
        %add3A_164 = arith.addi %mul3A_2, %mul3A_163 : i32
        %mul3A_165 = arith.constant 128 : i32
        %mul3A_166 = arith.muli %add3A_164, %mul3A_165 : i32
        %dma_start3A_167 = arith.constant 0 : i32
        %dma_start3A_168 = tpu.memref_slice %arg12[%mul3A_159, %dma_start3A_167] : memref<1024x32xf32, #tpu.memory_space<vmem>> -> memref<512x32xf32, #tpu.memory_space<vmem>>
        %dma_start3A_169 = arith.constant 0 : i32
        %dma_start3A_170 = tpu.memref_slice %arg4[%mul3A_166, %dma_start3A_169] : memref<327680x32xf32, #tpu.memory_space<hbm>> -> memref<512x32xf32, #tpu.memory_space<hbm>>
        %dma_start3A_171 = arith.constant 0 : i32
        %dma_start3A_172 = tpu.memref_slice %arg12[%mul3A_159, %dma_start3A_171] : memref<1024x32xf32, #tpu.memory_space<vmem>> -> memref<512x32xf32, #tpu.memory_space<vmem>>
        %dma_start3A_173 = arith.constant 0 : i32
        %dma_start3A_174 = tpu.memref_slice %arg4[%mul3A_166, %dma_start3A_173] : memref<327680x32xf32, #tpu.memory_space<hbm>> -> memref<512x32xf32, #tpu.memory_space<hbm>>
        tpu.enqueue_dma source(%dma_start3A_174 : memref<512x32xf32, #tpu.memory_space<hbm>>) target(%dma_start3A_172 : memref<512x32xf32, #tpu.memory_space<vmem>>) target_semaphore(%arg18 : memref<!tpu.dma_semaphore, #tpu.memory_space<semaphore_mem>>)
      } else {
      }
      %mul3A_116 = arith.constant 4 : i32
      %mul3A_117 = arith.muli %scan3A_87, %mul3A_116 : i32
      %add3A_118 = arith.constant 0 : i32
      %add3A_119 = arith.addi %mul3A_117, %add3A_118 : i32
      %add3A_120 = arith.constant 0 : i32
      %add3A_121 = arith.addi %mul3A_99, %add3A_120 : i32
      "tpu.region"() ({
        %run_scoped3A = tpu.sem_alloc : memref<!tpu.dma_semaphore, #tpu.memory_space<semaphore_mem>>
        %dma_start3A_140 = arith.constant 0 : i32
        %dma_start3A_141 = tpu.memref_slice %arg12[%add3A_121, %dma_start3A_140] : memref<1024x32xf32, #tpu.memory_space<vmem>> -> memref<128x32xf32, #tpu.memory_space<vmem>>
        %dma_start3A_142 = arith.constant 0 : i32
        %dma_start3A_143 = tpu.memref_slice %arg11[%add3A_119, %dma_start3A_142] : memref<80x128xi32, #tpu.memory_space<vmem>> -> memref<1x128xi32, #tpu.memory_space<vmem>>
        %dma_start3A_144 = tpu.memref_squeeze %dma_start3A_143 : memref<1x128xi32, #tpu.memory_space<vmem>> -> memref<128xi32, #tpu.memory_space<vmem>>
        %dma_start3A_145 = arith.constant 0 : i32
        %dma_start3A_146 = arith.constant 0 : i32
        %dma_start3A_147 = tpu.memref_slice %arg16[%dma_start3A_145, %dma_start3A_146] : memref<10240x32xf32, #tpu.memory_space<vmem_shared>> -> memref<10240x32xf32, #tpu.memory_space<vmem_shared>>
        tpu.enqueue_indirect_dma source(%dma_start3A_141 : memref<128x32xf32, #tpu.memory_space<vmem>>) target(%dma_start3A_147 : memref<10240x32xf32, #tpu.memory_space<vmem_shared>>) offsets(%dma_start3A_144 : memref<128xi32, #tpu.memory_space<vmem>>) semaphore(%run_scoped3A : memref<!tpu.dma_semaphore, #tpu.memory_space<semaphore_mem>>) {add = true}
        %dma_wait3A_148 = arith.constant 0 : i32
        %dma_wait3A_149 = tpu.memref_slice %arg12[%add3A_121, %dma_wait3A_148] : memref<1024x32xf32, #tpu.memory_space<vmem>> -> memref<128x32xf32, #tpu.memory_space<vmem>>
        %dma_wait3A_150 = arith.constant 0 : i32
        %dma_wait3A_151 = tpu.memref_slice %arg11[%add3A_119, %dma_wait3A_150] : memref<80x128xi32, #tpu.memory_space<vmem>> -> memref<1x128xi32, #tpu.memory_space<vmem>>
        %dma_wait3A_152 = tpu.memref_squeeze %dma_wait3A_151 : memref<1x128xi32, #tpu.memory_space<vmem>> -> memref<128xi32, #tpu.memory_space<vmem>>
        %dma_wait3A_153 = arith.constant 0 : i32
        %dma_wait3A_154 = arith.constant 0 : i32
        %dma_wait3A_155 = tpu.memref_slice %arg16[%dma_wait3A_153, %dma_wait3A_154] : memref<10240x32xf32, #tpu.memory_space<vmem_shared>> -> memref<10240x32xf32, #tpu.memory_space<vmem_shared>>
        tpu.wait_indirect_dma semaphore(%run_scoped3A : memref<!tpu.dma_semaphore, #tpu.memory_space<semaphore_mem>>) src(%dma_wait3A_149 : memref<128x32xf32, #tpu.memory_space<vmem>>) dst(%dma_wait3A_155 : memref<10240x32xf32, #tpu.memory_space<vmem_shared>>)
        tpu.yield
      }) : () -> ()
      %mul3A_122 = arith.constant 4 : i32
      %mul3A_123 = arith.muli %scan3A_87, %mul3A_122 : i32
      %add3A_124 = arith.constant 1 : i32
      %add3A_125 = arith.addi %mul3A_123, %add3A_124 : i32
      %add3A_126 = arith.constant 128 : i32
      %add3A_127 = arith.addi %mul3A_99, %add3A_126 : i32
      "tpu.region"() ({
        %run_scoped3A = tpu.sem_alloc : memref<!tpu.dma_semaphore, #tpu.memory_space<semaphore_mem>>
        %dma_start3A_140 = arith.constant 0 : i32
        %dma_start3A_141 = tpu.memref_slice %arg12[%add3A_127, %dma_start3A_140] : memref<1024x32xf32, #tpu.memory_space<vmem>> -> memref<128x32xf32, #tpu.memory_space<vmem>>
        %dma_start3A_142 = arith.constant 0 : i32
        %dma_start3A_143 = tpu.memref_slice %arg11[%add3A_125, %dma_start3A_142] : memref<80x128xi32, #tpu.memory_space<vmem>> -> memref<1x128xi32, #tpu.memory_space<vmem>>
        %dma_start3A_144 = tpu.memref_squeeze %dma_start3A_143 : memref<1x128xi32, #tpu.memory_space<vmem>> -> memref<128xi32, #tpu.memory_space<vmem>>
        %dma_start3A_145 = arith.constant 0 : i32
        %dma_start3A_146 = arith.constant 0 : i32
        %dma_start3A_147 = tpu.memref_slice %arg16[%dma_start3A_145, %dma_start3A_146] : memref<10240x32xf32, #tpu.memory_space<vmem_shared>> -> memref<10240x32xf32, #tpu.memory_space<vmem_shared>>
        tpu.enqueue_indirect_dma source(%dma_start3A_141 : memref<128x32xf32, #tpu.memory_space<vmem>>) target(%dma_start3A_147 : memref<10240x32xf32, #tpu.memory_space<vmem_shared>>) offsets(%dma_start3A_144 : memref<128xi32, #tpu.memory_space<vmem>>) semaphore(%run_scoped3A : memref<!tpu.dma_semaphore, #tpu.memory_space<semaphore_mem>>) {add = true}
        %dma_wait3A_148 = arith.constant 0 : i32
        %dma_wait3A_149 = tpu.memref_slice %arg12[%add3A_127, %dma_wait3A_148] : memref<1024x32xf32, #tpu.memory_space<vmem>> -> memref<128x32xf32, #tpu.memory_space<vmem>>
        %dma_wait3A_150 = arith.constant 0 : i32
        %dma_wait3A_151 = tpu.memref_slice %arg11[%add3A_125, %dma_wait3A_150] : memref<80x128xi32, #tpu.memory_space<vmem>> -> memref<1x128xi32, #tpu.memory_space<vmem>>
        %dma_wait3A_152 = tpu.memref_squeeze %dma_wait3A_151 : memref<1x128xi32, #tpu.memory_space<vmem>> -> memref<128xi32, #tpu.memory_space<vmem>>
        %dma_wait3A_153 = arith.constant 0 : i32
        %dma_wait3A_154 = arith.constant 0 : i32
        %dma_wait3A_155 = tpu.memref_slice %arg16[%dma_wait3A_153, %dma_wait3A_154] : memref<10240x32xf32, #tpu.memory_space<vmem_shared>> -> memref<10240x32xf32, #tpu.memory_space<vmem_shared>>
        tpu.wait_indirect_dma semaphore(%run_scoped3A : memref<!tpu.dma_semaphore, #tpu.memory_space<semaphore_mem>>) src(%dma_wait3A_149 : memref<128x32xf32, #tpu.memory_space<vmem>>) dst(%dma_wait3A_155 : memref<10240x32xf32, #tpu.memory_space<vmem_shared>>)
        tpu.yield
      }) : () -> ()
      %mul3A_128 = arith.constant 4 : i32
      %mul3A_129 = arith.muli %scan3A_87, %mul3A_128 : i32
      %add3A_130 = arith.constant 2 : i32
      %add3A_131 = arith.addi %mul3A_129, %add3A_130 : i32
      %add3A_132 = arith.constant 256 : i32
      %add3A_133 = arith.addi %mul3A_99, %add3A_132 : i32
      "tpu.region"() ({
        %run_scoped3A = tpu.sem_alloc : memref<!tpu.dma_semaphore, #tpu.memory_space<semaphore_mem>>
        %dma_start3A_140 = arith.constant 0 : i32
        %dma_start3A_141 = tpu.memref_slice %arg12[%add3A_133, %dma_start3A_140] : memref<1024x32xf32, #tpu.memory_space<vmem>> -> memref<128x32xf32, #tpu.memory_space<vmem>>
        %dma_start3A_142 = arith.constant 0 : i32
        %dma_start3A_143 = tpu.memref_slice %arg11[%add3A_131, %dma_start3A_142] : memref<80x128xi32, #tpu.memory_space<vmem>> -> memref<1x128xi32, #tpu.memory_space<vmem>>
        %dma_start3A_144 = tpu.memref_squeeze %dma_start3A_143 : memref<1x128xi32, #tpu.memory_space<vmem>> -> memref<128xi32, #tpu.memory_space<vmem>>
        %dma_start3A_145 = arith.constant 0 : i32
        %dma_start3A_146 = arith.constant 0 : i32
        %dma_start3A_147 = tpu.memref_slice %arg16[%dma_start3A_145, %dma_start3A_146] : memref<10240x32xf32, #tpu.memory_space<vmem_shared>> -> memref<10240x32xf32, #tpu.memory_space<vmem_shared>>
        tpu.enqueue_indirect_dma source(%dma_start3A_141 : memref<128x32xf32, #tpu.memory_space<vmem>>) target(%dma_start3A_147 : memref<10240x32xf32, #tpu.memory_space<vmem_shared>>) offsets(%dma_start3A_144 : memref<128xi32, #tpu.memory_space<vmem>>) semaphore(%run_scoped3A : memref<!tpu.dma_semaphore, #tpu.memory_space<semaphore_mem>>) {add = true}
        %dma_wait3A_148 = arith.constant 0 : i32
        %dma_wait3A_149 = tpu.memref_slice %arg12[%add3A_133, %dma_wait3A_148] : memref<1024x32xf32, #tpu.memory_space<vmem>> -> memref<128x32xf32, #tpu.memory_space<vmem>>
        %dma_wait3A_150 = arith.constant 0 : i32
        %dma_wait3A_151 = tpu.memref_slice %arg11[%add3A_131, %dma_wait3A_150] : memref<80x128xi32, #tpu.memory_space<vmem>> -> memref<1x128xi32, #tpu.memory_space<vmem>>
        %dma_wait3A_152 = tpu.memref_squeeze %dma_wait3A_151 : memref<1x128xi32, #tpu.memory_space<vmem>> -> memref<128xi32, #tpu.memory_space<vmem>>
        %dma_wait3A_153 = arith.constant 0 : i32
        %dma_wait3A_154 = arith.constant 0 : i32
        %dma_wait3A_155 = tpu.memref_slice %arg16[%dma_wait3A_153, %dma_wait3A_154] : memref<10240x32xf32, #tpu.memory_space<vmem_shared>> -> memref<10240x32xf32, #tpu.memory_space<vmem_shared>>
        tpu.wait_indirect_dma semaphore(%run_scoped3A : memref<!tpu.dma_semaphore, #tpu.memory_space<semaphore_mem>>) src(%dma_wait3A_149 : memref<128x32xf32, #tpu.memory_space<vmem>>) dst(%dma_wait3A_155 : memref<10240x32xf32, #tpu.memory_space<vmem_shared>>)
        tpu.yield
      }) : () -> ()
      %mul3A_134 = arith.constant 4 : i32
      %mul3A_135 = arith.muli %scan3A_87, %mul3A_134 : i32
      %add3A_136 = arith.constant 3 : i32
      %add3A_137 = arith.addi %mul3A_135, %add3A_136 : i32
      %add3A_138 = arith.constant 384 : i32
      %add3A_139 = arith.addi %mul3A_99, %add3A_138 : i32
      "tpu.region"() ({
        %run_scoped3A = tpu.sem_alloc : memref<!tpu.dma_semaphore, #tpu.memory_space<semaphore_mem>>
        %dma_start3A_140 = arith.constant 0 : i32
        %dma_start3A_141 = tpu.memref_slice %arg12[%add3A_139, %dma_start3A_140] : memref<1024x32xf32, #tpu.memory_space<vmem>> -> memref<128x32xf32, #tpu.memory_space<vmem>>
        %dma_start3A_142 = arith.constant 0 : i32
        %dma_start3A_143 = tpu.memref_slice %arg11[%add3A_137, %dma_start3A_142] : memref<80x128xi32, #tpu.memory_space<vmem>> -> memref<1x128xi32, #tpu.memory_space<vmem>>
        %dma_start3A_144 = tpu.memref_squeeze %dma_start3A_143 : memref<1x128xi32, #tpu.memory_space<vmem>> -> memref<128xi32, #tpu.memory_space<vmem>>
        %dma_start3A_145 = arith.constant 0 : i32
        %dma_start3A_146 = arith.constant 0 : i32
        %dma_start3A_147 = tpu.memref_slice %arg16[%dma_start3A_145, %dma_start3A_146] : memref<10240x32xf32, #tpu.memory_space<vmem_shared>> -> memref<10240x32xf32, #tpu.memory_space<vmem_shared>>
        tpu.enqueue_indirect_dma source(%dma_start3A_141 : memref<128x32xf32, #tpu.memory_space<vmem>>) target(%dma_start3A_147 : memref<10240x32xf32, #tpu.memory_space<vmem_shared>>) offsets(%dma_start3A_144 : memref<128xi32, #tpu.memory_space<vmem>>) semaphore(%run_scoped3A : memref<!tpu.dma_semaphore, #tpu.memory_space<semaphore_mem>>) {add = true}
        %dma_wait3A_148 = arith.constant 0 : i32
        %dma_wait3A_149 = tpu.memref_slice %arg12[%add3A_139, %dma_wait3A_148] : memref<1024x32xf32, #tpu.memory_space<vmem>> -> memref<128x32xf32, #tpu.memory_space<vmem>>
        %dma_wait3A_150 = arith.constant 0 : i32
        %dma_wait3A_151 = tpu.memref_slice %arg11[%add3A_137, %dma_wait3A_150] : memref<80x128xi32, #tpu.memory_space<vmem>> -> memref<1x128xi32, #tpu.memory_space<vmem>>
        %dma_wait3A_152 = tpu.memref_squeeze %dma_wait3A_151 : memref<1x128xi32, #tpu.memory_space<vmem>> -> memref<128xi32, #tpu.memory_space<vmem>>
        %dma_wait3A_153 = arith.constant 0 : i32
        %dma_wait3A_154 = arith.constant 0 : i32
        %dma_wait3A_155 = tpu.memref_slice %arg16[%dma_wait3A_153, %dma_wait3A_154] : memref<10240x32xf32, #tpu.memory_space<vmem_shared>> -> memref<10240x32xf32, #tpu.memory_space<vmem_shared>>
        tpu.wait_indirect_dma semaphore(%run_scoped3A : memref<!tpu.dma_semaphore, #tpu.memory_space<semaphore_mem>>) src(%dma_wait3A_149 : memref<128x32xf32, #tpu.memory_space<vmem>>) dst(%dma_wait3A_155 : memref<10240x32xf32, #tpu.memory_space<vmem_shared>>)
        tpu.yield
      }) : () -> ()
    }
    %scan3A_75 = arith.constant 20 : i32
    %barrier3A_76 = arith.constant 0 : index
    tpu.barrier barrier_id(%barrier3A_76)
    "tpu.region"() ({
      %run_scoped3A = tpu.sem_alloc : memref<!tpu.dma_semaphore, #tpu.memory_space<semaphore_mem>>
      %dma_start3A_87 = arith.constant 0 : i32
      %dma_start3A_88 = tpu.memref_slice %arg16[%mul3A_4, %dma_start3A_87] : memref<10240x32xf32, #tpu.memory_space<vmem_shared>> -> memref<640x32xf32, #tpu.memory_space<vmem_shared>>
      %dma_start3A_89 = arith.constant 0 : i32
      %dma_start3A_90 = tpu.memref_slice %arg16[%mul3A_4, %dma_start3A_89] : memref<10240x32xf32, #tpu.memory_space<vmem_shared>> -> memref<640x32xf32, #tpu.memory_space<vmem_shared>>
      tpu.enqueue_dma source(%dma_start3A_90 : memref<640x32xf32, #tpu.memory_space<vmem_shared>>) target(%arg14 : memref<640x32xf32, #tpu.memory_space<vmem>>) target_semaphore(%run_scoped3A : memref<!tpu.dma_semaphore, #tpu.memory_space<semaphore_mem>>)
      %dma_wait3A = arith.constant 0 : i32
      %dma_wait3A_91 = tpu.memref_slice %arg16[%mul3A_4, %dma_wait3A] : memref<10240x32xf32, #tpu.memory_space<vmem_shared>> -> memref<640x32xf32, #tpu.memory_space<vmem_shared>>
      %dma_wait3A_92 = arith.constant 0 : i32
      %dma_wait3A_93 = tpu.memref_slice %arg16[%mul3A_4, %dma_wait3A_92] : memref<10240x32xf32, #tpu.memory_space<vmem_shared>> -> memref<640x32xf32, #tpu.memory_space<vmem_shared>>
      tpu.wait_dma2 semaphore(%run_scoped3A : memref<!tpu.dma_semaphore, #tpu.memory_space<semaphore_mem>>) src(%dma_wait3A_93 : memref<640x32xf32, #tpu.memory_space<vmem_shared>>) dst(%arg14 : memref<640x32xf32, #tpu.memory_space<vmem>>)
      tpu.yield
    }) : () -> ()
    %eq3A_77 = arith.constant 0 : i32
    %eq3A_78 = arith.cmpi eq, %arg0, %eq3A_77 : i32
    %convert_element_type3A_79 = arith.extui %eq3A_78 : i1 to i32
    %cond3A_80 = arith.constant 0 : i32
    %cond3A_81 = arith.cmpi ne, %convert_element_type3A_79, %cond3A_80 : i32
    scf.if %cond3A_81 {
      "tpu.region"() ({
        %run_scoped3A = tpu.sem_alloc : memref<!tpu.dma_semaphore, #tpu.memory_space<semaphore_mem>>
        %dma_start3A_87 = arith.constant 0 : i32
        %dma_start3A_88 = tpu.memref_slice %arg7[%mul3A_4, %dma_start3A_87] : memref<10240x32xf32, #tpu.memory_space<hbm>> -> memref<640x32xf32, #tpu.memory_space<hbm>>
        %dma_start3A_89 = arith.constant 0 : i32
        %dma_start3A_90 = tpu.memref_slice %arg7[%mul3A_4, %dma_start3A_89] : memref<10240x32xf32, #tpu.memory_space<hbm>> -> memref<640x32xf32, #tpu.memory_space<hbm>>
        tpu.enqueue_dma source(%arg14 : memref<640x32xf32, #tpu.memory_space<vmem>>) target(%dma_start3A_90 : memref<640x32xf32, #tpu.memory_space<hbm>>) target_semaphore(%run_scoped3A : memref<!tpu.dma_semaphore, #tpu.memory_space<semaphore_mem>>)
        %dma_wait3A = arith.constant 0 : i32
        %dma_wait3A_91 = tpu.memref_slice %arg7[%mul3A_4, %dma_wait3A] : memref<10240x32xf32, #tpu.memory_space<hbm>> -> memref<640x32xf32, #tpu.memory_space<hbm>>
        %dma_wait3A_92 = arith.constant 0 : i32
        %dma_wait3A_93 = tpu.memref_slice %arg7[%mul3A_4, %dma_wait3A_92] : memref<10240x32xf32, #tpu.memory_space<hbm>> -> memref<640x32xf32, #tpu.memory_space<hbm>>
        tpu.wait_dma2 semaphore(%run_scoped3A : memref<!tpu.dma_semaphore, #tpu.memory_space<semaphore_mem>>) src(%arg14 : memref<640x32xf32, #tpu.memory_space<vmem>>) dst(%dma_wait3A_93 : memref<640x32xf32, #tpu.memory_space<hbm>>)
        tpu.yield
      }) : () -> ()
    } else {
    }
    %eq3A_82 = arith.constant 1 : i32
    %eq3A_83 = arith.cmpi eq, %arg0, %eq3A_82 : i32
    %convert_element_type3A_84 = arith.extui %eq3A_83 : i1 to i32
    %cond3A_85 = arith.constant 0 : i32
    %cond3A_86 = arith.cmpi ne, %convert_element_type3A_84, %cond3A_85 : i32
    scf.if %cond3A_86 {
      "tpu.region"() ({
        %run_scoped3A = tpu.sem_alloc : memref<!tpu.dma_semaphore, #tpu.memory_space<semaphore_mem>>
        %dma_start3A_87 = arith.constant 0 : i32
        %dma_start3A_88 = tpu.memref_slice %arg8[%mul3A_4, %dma_start3A_87] : memref<10240x32xf32, #tpu.memory_space<hbm>> -> memref<640x32xf32, #tpu.memory_space<hbm>>
        %dma_start3A_89 = arith.constant 0 : i32
        %dma_start3A_90 = tpu.memref_slice %arg8[%mul3A_4, %dma_start3A_89] : memref<10240x32xf32, #tpu.memory_space<hbm>> -> memref<640x32xf32, #tpu.memory_space<hbm>>
        tpu.enqueue_dma source(%arg14 : memref<640x32xf32, #tpu.memory_space<vmem>>) target(%dma_start3A_90 : memref<640x32xf32, #tpu.memory_space<hbm>>) target_semaphore(%run_scoped3A : memref<!tpu.dma_semaphore, #tpu.memory_space<semaphore_mem>>)
        %dma_wait3A = arith.constant 0 : i32
        %dma_wait3A_91 = tpu.memref_slice %arg8[%mul3A_4, %dma_wait3A] : memref<10240x32xf32, #tpu.memory_space<hbm>> -> memref<640x32xf32, #tpu.memory_space<hbm>>
        %dma_wait3A_92 = arith.constant 0 : i32
        %dma_wait3A_93 = tpu.memref_slice %arg8[%mul3A_4, %dma_wait3A_92] : memref<10240x32xf32, #tpu.memory_space<hbm>> -> memref<640x32xf32, #tpu.memory_space<hbm>>
        tpu.wait_dma2 semaphore(%run_scoped3A : memref<!tpu.dma_semaphore, #tpu.memory_space<semaphore_mem>>) src(%arg14 : memref<640x32xf32, #tpu.memory_space<vmem>>) dst(%dma_wait3A_93 : memref<640x32xf32, #tpu.memory_space<hbm>>)
        tpu.yield
      }) : () -> ()
    } else {
    }
    return
  }
}

module attributes {stable_mosaic.version = 14 : i64} {
  func.func @_k2_body(%arg0: i32, %arg1: memref<1024x128xbf16, #tpu.memory_space<vmem>>, %arg2: memref<1024x128xbf16, #tpu.memory_space<vmem>>, %arg3: memref<1024x2xf32, #tpu.memory_space<vmem>>, %arg4: memref<128x64xbf16, #tpu.memory_space<vmem>>, %arg5: memref<128x64xbf16, #tpu.memory_space<vmem>>, %arg6: memref<2x64xf32, #tpu.memory_space<vmem>>, %arg7: memref<1x64xf32, #tpu.memory_space<vmem>>, %arg8: memref<64x64xf32, #tpu.memory_space<vmem>>, %arg9: memref<1x64xf32, #tpu.memory_space<vmem>>, %arg10: memref<1024x32xf32, #tpu.memory_space<vmem>>, %arg11: memref<1024x32xf32, #tpu.memory_space<vmem>>) attributes {dimension_semantics = [#tpu.dimension_semantics<arbitrary>], iteration_bounds = array<i64: 320>, scalar_prefetch = 0 : i64, scratch_operands = 0 : i64, tpu.core_type = #tpu.core_type<tc>, window_params = [{transform_indices = @transform_0, window_bounds = array<i64: 1024, 128>}, {transform_indices = @transform_1, window_bounds = array<i64: 1024, 128>}, {transform_indices = @transform_2, window_bounds = array<i64: 1024, 2>}, {pipeline_mode = #tpu.pipeline_mode<synchronous>, transform_indices = @transform_3, window_bounds = array<i64: 128, 64>}, {pipeline_mode = #tpu.pipeline_mode<synchronous>, transform_indices = @transform_4, window_bounds = array<i64: 128, 64>}, {pipeline_mode = #tpu.pipeline_mode<synchronous>, transform_indices = @transform_5, window_bounds = array<i64: 2, 64>}, {pipeline_mode = #tpu.pipeline_mode<synchronous>, transform_indices = @transform_6, window_bounds = array<i64: 1, 64>}, {pipeline_mode = #tpu.pipeline_mode<synchronous>, transform_indices = @transform_7, window_bounds = array<i64: 64, 64>}, {pipeline_mode = #tpu.pipeline_mode<synchronous>, transform_indices = @transform_8, window_bounds = array<i64: 1, 64>}, {transform_indices = @transform_9, window_bounds = array<i64: 1024, 32>}, {transform_indices = @transform_10, window_bounds = array<i64: 1024, 32>}]} {
    %get3A = arith.constant 0 : index
    %get3A_0 = arith.constant 0 : index
    %get3A_1 = vector.load %arg1[%get3A, %get3A_0] : memref<1024x128xbf16, #tpu.memory_space<vmem>>, vector<1024x128xbf16>
    %get3A_2 = arith.constant 0 : index
    %get3A_3 = arith.constant 0 : index
    %get3A_4 = vector.load %arg4[%get3A_2, %get3A_3] : memref<128x64xbf16, #tpu.memory_space<vmem>>, vector<128x64xbf16>
    %dot_general3A = arith.constant dense<0.000000e+00> : vector<1024x64xf32>
    %dot_general3A_5 = tpu.matmul %get3A_1, %get3A_4, %dot_general3A {dimension_numbers = #tpu.dot_dimension_numbers<[1], [0], [0], [1], [0, 0, 1, 1], [], []>, transpose_lhs_hint = false} : vector<1024x128xbf16>, vector<128x64xbf16>, vector<1024x64xf32> -> vector<1024x64xf32>
    %get3A_6 = arith.constant 0 : index
    %get3A_7 = arith.constant 0 : index
    %get3A_8 = vector.load %arg2[%get3A_6, %get3A_7] : memref<1024x128xbf16, #tpu.memory_space<vmem>>, vector<1024x128xbf16>
    %get3A_9 = arith.constant 0 : index
    %get3A_10 = arith.constant 0 : index
    %get3A_11 = vector.load %arg5[%get3A_9, %get3A_10] : memref<128x64xbf16, #tpu.memory_space<vmem>>, vector<128x64xbf16>
    %dot_general3A_12 = arith.constant dense<0.000000e+00> : vector<1024x64xf32>
    %dot_general3A_13 = tpu.matmul %get3A_8, %get3A_11, %dot_general3A_12 {dimension_numbers = #tpu.dot_dimension_numbers<[1], [0], [0], [1], [0, 0, 1, 1], [], []>, transpose_lhs_hint = false} : vector<1024x128xbf16>, vector<128x64xbf16>, vector<1024x64xf32> -> vector<1024x64xf32>
    %add3A = arith.addf %dot_general3A_5, %dot_general3A_13 : vector<1024x64xf32>
    %get3A_14 = arith.constant 0 : index
    %get3A_15 = arith.constant 0 : index
    %get3A_16 = vector.load %arg3[%get3A_14, %get3A_15] : memref<1024x2xf32, #tpu.memory_space<vmem>>, vector<1024x2xf32>
    %get3A_17 = arith.constant 0 : index
    %get3A_18 = arith.constant 0 : index
    %get3A_19 = vector.load %arg6[%get3A_17, %get3A_18] : memref<2x64xf32, #tpu.memory_space<vmem>>, vector<2x64xf32>
    %dot_general3A_20 = arith.constant dense<0.000000e+00> : vector<1024x64xf32>
    %dot_general3A_21 = tpu.matmul %get3A_16, %get3A_19, %dot_general3A_20 {dimension_numbers = #tpu.dot_dimension_numbers<[1], [0], [0], [1], [0, 0, 1, 1], [], []>, transpose_lhs_hint = false} : vector<1024x2xf32>, vector<2x64xf32>, vector<1024x64xf32> -> vector<1024x64xf32>
    %add3A_22 = arith.addf %add3A, %dot_general3A_21 : vector<1024x64xf32>
    %get3A_23 = arith.constant 0 : index
    %get3A_24 = arith.constant 0 : index
    %get3A_25 = vector.load %arg7[%get3A_23, %get3A_24] : memref<1x64xf32, #tpu.memory_space<vmem>>, vector<1x64xf32>
    %add3A_26 = vector.broadcast %get3A_25 : vector<1x64xf32> to vector<1024x64xf32>
    %add3A_27 = arith.addf %add3A_22, %add3A_26 : vector<1024x64xf32>
    %logistic3A = arith.negf %add3A_27 : vector<1024x64xf32>
    %logistic3A_28 = math.exp %logistic3A : vector<1024x64xf32>
    %logistic3A_29 = arith.constant 1.000000e+00 : f32
    %logistic3A_30 = vector.broadcast %logistic3A_29 : f32 to vector<1024x64xf32>
    %logistic3A_31 = arith.addf %logistic3A_30, %logistic3A_28 : vector<1024x64xf32>
    %logistic3A_32 = arith.divf %logistic3A_30, %logistic3A_31 : vector<1024x64xf32>
    %mul3A = arith.mulf %add3A_27, %logistic3A_32 : vector<1024x64xf32>
    %get3A_33 = arith.constant 0 : index
    %get3A_34 = arith.constant 0 : index
    %get3A_35 = vector.load %arg8[%get3A_33, %get3A_34] : memref<64x64xf32, #tpu.memory_space<vmem>>, vector<64x64xf32>
    %dot_general3A_36 = arith.constant dense<0.000000e+00> : vector<1024x64xf32>
    %dot_general3A_37 = tpu.matmul %mul3A, %get3A_35, %dot_general3A_36 {dimension_numbers = #tpu.dot_dimension_numbers<[1], [0], [0], [1], [0, 0, 1, 1], [], []>, transpose_lhs_hint = false} : vector<1024x64xf32>, vector<64x64xf32>, vector<1024x64xf32> -> vector<1024x64xf32>
    %get3A_38 = arith.constant 0 : index
    %get3A_39 = arith.constant 0 : index
    %get3A_40 = vector.load %arg9[%get3A_38, %get3A_39] : memref<1x64xf32, #tpu.memory_space<vmem>>, vector<1x64xf32>
    %add3A_41 = vector.broadcast %get3A_40 : vector<1x64xf32> to vector<1024x64xf32>
    %add3A_42 = arith.addf %dot_general3A_37, %add3A_41 : vector<1024x64xf32>
    %logistic3A_43 = arith.negf %add3A_42 : vector<1024x64xf32>
    %logistic3A_44 = math.exp %logistic3A_43 : vector<1024x64xf32>
    %logistic3A_45 = arith.constant 1.000000e+00 : f32
    %logistic3A_46 = vector.broadcast %logistic3A_45 : f32 to vector<1024x64xf32>
    %logistic3A_47 = arith.addf %logistic3A_46, %logistic3A_44 : vector<1024x64xf32>
    %logistic3A_48 = arith.divf %logistic3A_46, %logistic3A_47 : vector<1024x64xf32>
    %mul3A_49 = arith.mulf %add3A_42, %logistic3A_48 : vector<1024x64xf32>
    %slice3A = vector.extract_strided_slice %mul3A_49 {offsets = [0, 0], sizes = [1024, 32], strides = [1, 1]} : vector<1024x64xf32> to vector<1024x32xf32>
    %swap3A = arith.constant 0 : index
    %swap3A_50 = arith.constant 0 : index
    %swap3A_51 = vector.load %arg10[%swap3A, %swap3A_50] : memref<1024x32xf32, #tpu.memory_space<vmem>>, vector<1024x32xf32>
    tpu.vector_store %arg10[%swap3A, %swap3A_50], %slice3A {strides = array<i32>} : memref<1024x32xf32, #tpu.memory_space<vmem>>, vector<1024x32xf32>,
    %slice3A_52 = vector.extract_strided_slice %mul3A_49 {offsets = [0, 32], sizes = [1024, 32], strides = [1, 1]} : vector<1024x64xf32> to vector<1024x32xf32>
    %swap3A_53 = arith.constant 0 : index
    %swap3A_54 = arith.constant 0 : index
    %swap3A_55 = vector.load %arg11[%swap3A_53, %swap3A_54] : memref<1024x32xf32, #tpu.memory_space<vmem>>, vector<1024x32xf32>
    tpu.vector_store %arg11[%swap3A_53, %swap3A_54], %slice3A_52 {strides = array<i32>} : memref<1024x32xf32, #tpu.memory_space<vmem>>, vector<1024x32xf32>,
    return
  }
  func.func @transform_0(%arg0: i32) -> (i32, i32) {
    %c0_i32 = arith.constant 0 : i32
    %c0_i32_0 = arith.constant 0 : i32
    return %arg0, %c0_i32 : i32, i32
  }
  func.func @transform_1(%arg0: i32) -> (i32, i32) {
    %c0_i32 = arith.constant 0 : i32
    %c0_i32_0 = arith.constant 0 : i32
    return %arg0, %c0_i32 : i32, i32
  }
  func.func @transform_2(%arg0: i32) -> (i32, i32) {
    %c0_i32 = arith.constant 0 : i32
    %c0_i32_0 = arith.constant 0 : i32
    return %arg0, %c0_i32 : i32, i32
  }
  func.func @transform_3(%arg0: i32) -> (i32, i32) {
    %c0_i32 = arith.constant 0 : i32
    %c0_i32_0 = arith.constant 0 : i32
    %c0_i32_1 = arith.constant 0 : i32
    return %c0_i32, %c0_i32_0 : i32, i32
  }
  func.func @transform_4(%arg0: i32) -> (i32, i32) {
    %c0_i32 = arith.constant 0 : i32
    %c0_i32_0 = arith.constant 0 : i32
    %c0_i32_1 = arith.constant 0 : i32
    return %c0_i32, %c0_i32_0 : i32, i32
  }
  func.func @transform_5(%arg0: i32) -> (i32, i32) {
    %c0_i32 = arith.constant 0 : i32
    %c0_i32_0 = arith.constant 0 : i32
    %c0_i32_1 = arith.constant 0 : i32
    return %c0_i32, %c0_i32_0 : i32, i32
  }
  func.func @transform_6(%arg0: i32) -> (i32, i32) {
    %c0_i32 = arith.constant 0 : i32
    %c0_i32_0 = arith.constant 0 : i32
    %c0_i32_1 = arith.constant 0 : i32
    return %c0_i32, %c0_i32_0 : i32, i32
  }
  func.func @transform_7(%arg0: i32) -> (i32, i32) {
    %c0_i32 = arith.constant 0 : i32
    %c0_i32_0 = arith.constant 0 : i32
    %c0_i32_1 = arith.constant 0 : i32
    return %c0_i32, %c0_i32_0 : i32, i32
  }
  func.func @transform_8(%arg0: i32) -> (i32, i32) {
    %c0_i32 = arith.constant 0 : i32
    %c0_i32_0 = arith.constant 0 : i32
    %c0_i32_1 = arith.constant 0 : i32
    return %c0_i32, %c0_i32_0 : i32, i32
  }
  func.func @transform_9(%arg0: i32) -> (i32, i32) {
    %c0_i32 = arith.constant 0 : i32
    %c0_i32_0 = arith.constant 0 : i32
    return %arg0, %c0_i32 : i32, i32
  }
  func.func @transform_10(%arg0: i32) -> (i32, i32) {
    %c0_i32 = arith.constant 0 : i32
    %c0_i32_0 = arith.constant 0 : i32
    return %arg0, %c0_i32 : i32, i32
  }
}

module attributes {stable_mosaic.version = 14 : i64} {
  func.func @_k3_body(%arg0: i32, %arg1: memref<1024x32xf32, #tpu.memory_space<vmem>>, %arg2: memref<1024x32xf32, #tpu.memory_space<vmem>>, %arg3: memref<1024x32xf32, #tpu.memory_space<vmem>>, %arg4: memref<1024x32xf32, #tpu.memory_space<vmem>>, %arg5: memref<1024x16xf32, #tpu.memory_space<vmem>>, %arg6: memref<1024x16xf32, #tpu.memory_space<vmem>>, %arg7: memref<32x128xf32, #tpu.memory_space<vmem>>, %arg8: memref<32x128xf32, #tpu.memory_space<vmem>>, %arg9: memref<1x128xf32, #tpu.memory_space<vmem>>, %arg10: memref<128x128xf32, #tpu.memory_space<vmem>>, %arg11: memref<1024x128xf32, #tpu.memory_space<vmem>>) attributes {dimension_semantics = [#tpu.dimension_semantics<arbitrary>], iteration_bounds = array<i64: 10>, scalar_prefetch = 0 : i64, scratch_operands = 0 : i64, tpu.core_type = #tpu.core_type<tc>, window_params = [{transform_indices = @transform_0, window_bounds = array<i64: 1024, 32>}, {transform_indices = @transform_1, window_bounds = array<i64: 1024, 32>}, {transform_indices = @transform_2, window_bounds = array<i64: 1024, 32>}, {transform_indices = @transform_3, window_bounds = array<i64: 1024, 32>}, {transform_indices = @transform_4, window_bounds = array<i64: 1024, 16>}, {transform_indices = @transform_5, window_bounds = array<i64: 1024, 16>}, {pipeline_mode = #tpu.pipeline_mode<synchronous>, transform_indices = @transform_6, window_bounds = array<i64: 32, 128>}, {pipeline_mode = #tpu.pipeline_mode<synchronous>, transform_indices = @transform_7, window_bounds = array<i64: 32, 128>}, {pipeline_mode = #tpu.pipeline_mode<synchronous>, transform_indices = @transform_8, window_bounds = array<i64: 1, 128>}, {pipeline_mode = #tpu.pipeline_mode<synchronous>, transform_indices = @transform_9, window_bounds = array<i64: 128, 128>}, {transform_indices = @transform_10, window_bounds = array<i64: 1024, 128>}]} {
    %get3A = arith.constant 0 : index
    %get3A_0 = arith.constant 0 : index
    %get3A_1 = vector.load %arg5[%get3A, %get3A_0] : memref<1024x16xf32, #tpu.memory_space<vmem>>, vector<1024x16xf32>
    %slice3A = vector.extract_strided_slice %get3A_1 {offsets = [0, 0], sizes = [1024, 1], strides = [1, 1]} : vector<1024x16xf32> to vector<1024x1xf32>
    %get3A_2 = arith.constant 0 : index
    %get3A_3 = arith.constant 0 : index
    %get3A_4 = vector.load %arg6[%get3A_2, %get3A_3] : memref<1024x16xf32, #tpu.memory_space<vmem>>, vector<1024x16xf32>
    %slice3A_5 = vector.extract_strided_slice %get3A_4 {offsets = [0, 0], sizes = [1024, 1], strides = [1, 1]} : vector<1024x16xf32> to vector<1024x1xf32>
    %add3A = arith.addf %slice3A, %slice3A_5 : vector<1024x1xf32>
    %max3A = arith.constant 1.000000e+00 : f32
    %max3A_6 = vector.broadcast %max3A : f32 to vector<1024x1xf32>
    %max3A_7 = arith.maximumf %add3A, %max3A_6 : vector<1024x1xf32>
    %div3A = arith.constant 1.000000e+00 : f32
    %div3A_8 = vector.broadcast %div3A : f32 to vector<1024x1xf32>
    %div3A_9 = arith.divf %div3A_8, %max3A_7 : vector<1024x1xf32>
    %get3A_10 = arith.constant 0 : index
    %get3A_11 = arith.constant 0 : index
    %get3A_12 = vector.load %arg1[%get3A_10, %get3A_11] : memref<1024x32xf32, #tpu.memory_space<vmem>>, vector<1024x32xf32>
    %get3A_13 = arith.constant 0 : index
    %get3A_14 = arith.constant 0 : index
    %get3A_15 = vector.load %arg2[%get3A_13, %get3A_14] : memref<1024x32xf32, #tpu.memory_space<vmem>>, vector<1024x32xf32>
    %add3A_16 = arith.addf %get3A_12, %get3A_15 : vector<1024x32xf32>
    %mul3A = vector.broadcast %div3A_9 : vector<1024x1xf32> to vector<1024x32xf32>
    %mul3A_17 = arith.mulf %add3A_16, %mul3A : vector<1024x32xf32>
    %get3A_18 = arith.constant 0 : index
    %get3A_19 = arith.constant 0 : index
    %get3A_20 = vector.load %arg3[%get3A_18, %get3A_19] : memref<1024x32xf32, #tpu.memory_space<vmem>>, vector<1024x32xf32>
    %get3A_21 = arith.constant 0 : index
    %get3A_22 = arith.constant 0 : index
    %get3A_23 = vector.load %arg4[%get3A_21, %get3A_22] : memref<1024x32xf32, #tpu.memory_space<vmem>>, vector<1024x32xf32>
    %add3A_24 = arith.addf %get3A_20, %get3A_23 : vector<1024x32xf32>
    %mul3A_25 = vector.broadcast %div3A_9 : vector<1024x1xf32> to vector<1024x32xf32>
    %mul3A_26 = arith.mulf %add3A_24, %mul3A_25 : vector<1024x32xf32>
    %get3A_27 = arith.constant 0 : index
    %get3A_28 = arith.constant 0 : index
    %get3A_29 = vector.load %arg7[%get3A_27, %get3A_28] : memref<32x128xf32, #tpu.memory_space<vmem>>, vector<32x128xf32>
    %dot_general3A = arith.constant dense<0.000000e+00> : vector<1024x128xf32>
    %dot_general3A_30 = tpu.matmul %mul3A_17, %get3A_29, %dot_general3A {dimension_numbers = #tpu.dot_dimension_numbers<[1], [0], [0], [1], [0, 0, 1, 1], [], []>, transpose_lhs_hint = false} : vector<1024x32xf32>, vector<32x128xf32>, vector<1024x128xf32> -> vector<1024x128xf32>
    %get3A_31 = arith.constant 0 : index
    %get3A_32 = arith.constant 0 : index
    %get3A_33 = vector.load %arg8[%get3A_31, %get3A_32] : memref<32x128xf32, #tpu.memory_space<vmem>>, vector<32x128xf32>
    %dot_general3A_34 = arith.constant dense<0.000000e+00> : vector<1024x128xf32>
    %dot_general3A_35 = tpu.matmul %mul3A_26, %get3A_33, %dot_general3A_34 {dimension_numbers = #tpu.dot_dimension_numbers<[1], [0], [0], [1], [0, 0, 1, 1], [], []>, transpose_lhs_hint = false} : vector<1024x32xf32>, vector<32x128xf32>, vector<1024x128xf32> -> vector<1024x128xf32>
    %add3A_36 = arith.addf %dot_general3A_30, %dot_general3A_35 : vector<1024x128xf32>
    %get3A_37 = arith.constant 0 : index
    %get3A_38 = arith.constant 0 : index
    %get3A_39 = vector.load %arg9[%get3A_37, %get3A_38] : memref<1x128xf32, #tpu.memory_space<vmem>>, vector<1x128xf32>
    %add3A_40 = vector.broadcast %get3A_39 : vector<1x128xf32> to vector<1024x128xf32>
    %add3A_41 = arith.addf %add3A_36, %add3A_40 : vector<1024x128xf32>
    %gt3A = arith.constant 5.000000e-01 : f32
    %gt3A_42 = vector.broadcast %gt3A : f32 to vector<1024x1xf32>
    %gt3A_43 = arith.cmpf ogt, %add3A, %gt3A_42 : vector<1024x1xf32>
    %jit3A = arith.constant 0.000000e+00 : f32
    %broadcast_in_dim3A = vector.shape_cast %gt3A_43 : vector<1024x1xi1> to vector<1024x1xi1>
    %broadcast_in_dim3A_44 = vector.broadcast %broadcast_in_dim3A : vector<1024x1xi1> to vector<1024x128xi1>
    %broadcast_in_dim3A_45 = vector.broadcast %jit3A : f32 to vector<1024x128xf32>
    %select_n3A = arith.select %broadcast_in_dim3A_44, %add3A_41, %broadcast_in_dim3A_45 : vector<1024x128xi1>, vector<1024x128xf32>
    %get3A_46 = arith.constant 0 : index
    %get3A_47 = arith.constant 0 : index
    %get3A_48 = vector.load %arg10[%get3A_46, %get3A_47] : memref<128x128xf32, #tpu.memory_space<vmem>>, vector<128x128xf32>
    %dot_general3A_49 = arith.constant dense<0.000000e+00> : vector<1024x128xf32>
    %dot_general3A_50 = tpu.matmul %select_n3A, %get3A_48, %dot_general3A_49 {dimension_numbers = #tpu.dot_dimension_numbers<[1], [0], [0], [1], [0, 0, 1, 1], [], []>, transpose_lhs_hint = false} : vector<1024x128xf32>, vector<128x128xf32>, vector<1024x128xf32> -> vector<1024x128xf32>
    %mul3A_51 = arith.constant 0.0883883461 : f32
    %mul3A_52 = vector.broadcast %mul3A_51 : f32 to vector<1024x128xf32>
    %mul3A_53 = arith.mulf %dot_general3A_50, %mul3A_52 : vector<1024x128xf32>
    %swap3A = arith.constant 0 : index
    %swap3A_54 = arith.constant 0 : index
    %swap3A_55 = vector.load %arg11[%swap3A, %swap3A_54] : memref<1024x128xf32, #tpu.memory_space<vmem>>, vector<1024x128xf32>
    tpu.vector_store %arg11[%swap3A, %swap3A_54], %mul3A_53 {strides = array<i32>} : memref<1024x128xf32, #tpu.memory_space<vmem>>, vector<1024x128xf32>,
    return
  }
  func.func @transform_0(%arg0: i32) -> (i32, i32) {
    %c0_i32 = arith.constant 0 : i32
    %c0_i32_0 = arith.constant 0 : i32
    return %arg0, %c0_i32 : i32, i32
  }
  func.func @transform_1(%arg0: i32) -> (i32, i32) {
    %c0_i32 = arith.constant 0 : i32
    %c0_i32_0 = arith.constant 0 : i32
    return %arg0, %c0_i32 : i32, i32
  }
  func.func @transform_2(%arg0: i32) -> (i32, i32) {
    %c0_i32 = arith.constant 0 : i32
    %c0_i32_0 = arith.constant 0 : i32
    return %arg0, %c0_i32 : i32, i32
  }
  func.func @transform_3(%arg0: i32) -> (i32, i32) {
    %c0_i32 = arith.constant 0 : i32
    %c0_i32_0 = arith.constant 0 : i32
    return %arg0, %c0_i32 : i32, i32
  }
  func.func @transform_4(%arg0: i32) -> (i32, i32) {
    %c0_i32 = arith.constant 0 : i32
    %c0_i32_0 = arith.constant 0 : i32
    return %arg0, %c0_i32 : i32, i32
  }
  func.func @transform_5(%arg0: i32) -> (i32, i32) {
    %c0_i32 = arith.constant 0 : i32
    %c0_i32_0 = arith.constant 0 : i32
    return %arg0, %c0_i32 : i32, i32
  }
  func.func @transform_6(%arg0: i32) -> (i32, i32) {
    %c0_i32 = arith.constant 0 : i32
    %c0_i32_0 = arith.constant 0 : i32
    %c0_i32_1 = arith.constant 0 : i32
    return %c0_i32, %c0_i32_0 : i32, i32
  }
  func.func @transform_7(%arg0: i32) -> (i32, i32) {
    %c0_i32 = arith.constant 0 : i32
    %c0_i32_0 = arith.constant 0 : i32
    %c0_i32_1 = arith.constant 0 : i32
    return %c0_i32, %c0_i32_0 : i32, i32
  }
  func.func @transform_8(%arg0: i32) -> (i32, i32) {
    %c0_i32 = arith.constant 0 : i32
    %c0_i32_0 = arith.constant 0 : i32
    %c0_i32_1 = arith.constant 0 : i32
    return %c0_i32, %c0_i32_0 : i32, i32
  }
  func.func @transform_9(%arg0: i32) -> (i32, i32) {
    %c0_i32 = arith.constant 0 : i32
    %c0_i32_0 = arith.constant 0 : i32
    %c0_i32_1 = arith.constant 0 : i32
    return %c0_i32, %c0_i32_0 : i32, i32
  }
  func.func @transform_10(%arg0: i32) -> (i32, i32) {
    %c0_i32 = arith.constant 0 : i32
    %c0_i32_0 = arith.constant 0 : i32
    return %arg0, %c0_i32 : i32, i32
  }
}

</mosaic_0001>

<sc_bundles>
// kernel: kernel.6.cloned.1.call-start
scs
__scs_entry_jumppad:
0x0: {  	(pc) =	sbr.rel $0x88, $3  }
0x1: {  	(tag) =	ssettag $0x0;
	lr =	simm.s32 $0x1  }
0x2: {  	[smem:$0x3F97] =	sst lr;
	_ =	strace $0xD0000000  }
0x3: {  	_ = 	snop  }
0x4: {  	_ = 	snop  }
0x5: {  	_ = 	snop  }
0x6: {  	_ = 	snop  }
0x7: {  	_ = 	snop  }
__scs_overlays_trampoline_lowered:
0x8: {  	[smem:$0x3FA6] =	sst s0  }
0x9: {  	[smem:$0x3FA7] =	sst s1  }
0xa: {  	[smem:$0x3FA8] =	sst s2  }
0xb: {  	[smem:$0x3FA9] =	sst s3  }
0xc: {  	[smem:$0x3FAA] =	sst s4  }
0xd: {  	[smem:$0x3FAB] =	sst s5  }
0xe: {  	[smem:$0x3FAC] =	sst s6  }
0xf: {  	[smem:$0x3FAD] =	sst s7  }
0x10: {  	[smem:$0x3FAE] =	sst s8  }
0x11: {  	[smem:$0x3FAF] =	sst s9;
	s0 =	simm.s32 @!p0 $0x0  }
0x12: {  	s1 =	sld [smem:$0x3F95];
	s0 =	simm.s32 @p0 $0x1  }
0x13: {  	[smem:$0x3FB0] =	sst s0;
	s0 =	simm.s32 @!p1 $0x0  }
0x14: {  	s2 =	sld [smem:$0x3F94];
	s0 =	simm.s32 @p1 $0x1  }
0x15: {  	[smem:$0x3FB1] =	sst s0;
	s0 =	simm.s32 @!p2 $0x0  }
0x16: {  	s3 =	sld [smem:$0x3FDB];
	s0 =	simm.s32 @p2 $0x1  }
0x17: {  	s4 =	simm.s32 $0x1BF5;
	[smem:$0x3FB3] =	sst s0  }
0x18: {  	s0 =	sld [smem:$0x3F96];
	_ =	swait.ge [sflag:s4], $0x0  }
0x19: {  	s7 =	sld [smem:$0x3F97]  }
0x1a: {  	s8 =	sadd.s32 $0xFFFFE003, lr  }
0x1b: {  	s9 =	sadd.s32 $0xFFFFFEF7, lr;
	s5 =	simm.s32 $0xFFFFFFFF;
	p2 =	slt.u32 s8, $0xFFFFF086  }
0x1c: {  	p1 =	slt.u32 s9, $0xF7A;
	s5 =	simm.s32 @!p2 $0x0  }
0x1d: {  	s5 =	simm.s32 @p1 $0x1;
	p0 =	seq.s32 s7, s2  }
0x1e: {  	s7 =	smul.u32 @!p0 $0xF7A, s2;
	p2 =	seq.s32 @!p0 s5, $0x0  }
0x1f: {  	s9 =	smul.u32 $0xF7A, s1;
	s8 =	simm.s32 @!p0 $0x1BF5;
	p2 =	por !p2, p0  }
0x20: {  	[sflag:s8] =	ssyncset.s32 @!p0 $0xFFFFF086;
	s6 =	sadd.s32 @!p0 s3, s7;
	s7 =	simm.s32 @!p0 $0x108  }
0x21: {  	s3 =	sadd.s32 s3, s9;
	s6 =	sadd.s32 @!p0 $0x88, s6;
	s7 =	simm.s32 @p2 $0x1082  }
0x22: {  	[simem:s7], [sflag:s8] =	dma.local @!p0 [hbm:s6], $0xF7A  }
0x23: {  	s9 =	sor.u32 $0xD0000000, s2;
	s6 =	simm.s32 $0x108;
	_ =	swait.ge @!p0 [sflag:s8], $0x0  }
0x24: {  	s3 =	sadd.s32 $0x88, s3;
	s6 =	simm.s32 @!p1 $0x1082;
	[sflag:s4] =	ssyncset.s32 $0xFFFFF086  }
0x25: {  	[simem:s6], [sflag:s4] =	dma.local [hbm:s3], $0xF7A  }
0x26: {  	[smem:$0x3F97] =	sst s1;
	(tag) =	ssettag s2;
	_ =	strace s9  }
0x27: {  	s1 =	sld [smem:$0x3FA7]  }
0x28: {  	s2 =	sld [smem:$0x3FA8]  }
0x29: {  	s4 =	sld [smem:$0x3FAA]  }
0x2a: {  	p0 =	seq.s32 s5, $0x0;
	s5 =	sld [smem:$0x3FAB]  }
0x2b: {  	s6 =	sld [smem:$0x3FAC]  }
0x2c: {  	s7 =	sld [smem:$0x3FAD]  }
0x2d: {  	s3 =	simm.s32 $0x108;
	s8 =	sld [smem:$0x3FAE]  }
0x2e: {  	s3 =	simm.s32 @!p0 $0x1082;
	s9 =	sld [smem:$0x3FAF]  }
0x2f: {  	lr =	sadd.s32 s0, s3;
	s0 =	sld [smem:$0x3FA6]  }
0x30: {  	s3 =	sld [smem:$0x3FA9]  }
0x31: {  	[smem:$0x3FB2] =	sst s10  }
0x32: {  	s10 =	sld [smem:$0x3FB0];
	_ =	sdelay $0x3  }
0x33: {  	p0 =	seq.s32 s10, $0x1;
	s10 =	sld [smem:$0x3FB2];
	_ =	sdelay $0x3  }
0x34: {  	[smem:$0x3FB2] =	sst s10  }
0x35: {  	s10 =	sld [smem:$0x3FB1];
	_ =	sdelay $0x3  }
0x36: {  	p1 =	seq.s32 s10, $0x1;
	s10 =	sld [smem:$0x3FB2];
	_ =	sdelay $0x3  }
0x37: {  	[smem:$0x3FB2] =	sst s10  }
0x38: {  	s10 =	sld [smem:$0x3FB3]  }
0x39: {  	_ = 	snop;
	(pc) =	sbr.ind lr, $3  }
0x3a: {  	_ = 	snop  }
0x3b: {  	_ = 	snop  }
0x3c: {  	p2 =	seq.s32 s10, $0x1;
	s10 =	sld [smem:$0x3FB2]  }
0x3d: {  	_ =	shalt  }
0x3e: {  	_ =	shalt  }
0x3f: {  	_ =	shalt  }
0x40: {  	_ =	shalt  }
0x41: {  	_ =	shalt  }
0x42: {  	_ =	shalt  }
0x43: {  	_ =	shalt  }
0x44: {  	_ =	shalt  }
0x45: {  	_ =	shalt  }
0x46: {  	_ =	shalt  }
0x47: {  	_ =	shalt  }
0x48: {  	_ =	shalt  }
0x49: {  	_ =	shalt  }
0x4a: {  	_ =	shalt  }
0x4b: {  	_ =	shalt  }
0x4c: {  	_ =	shalt  }
0x4d: {  	_ =	shalt  }
0x4e: {  	_ =	shalt  }
0x4f: {  	_ =	shalt  }
0x50: {  	_ =	shalt  }
0x51: {  	_ =	shalt  }
0x52: {  	_ =	shalt  }
0x53: {  	_ =	shalt  }
0x54: {  	_ =	shalt  }
0x55: {  	_ =	shalt  }
0x56: {  	_ =	shalt  }
0x57: {  	_ =	shalt  }
0x58: {  	_ =	shalt  }
0x59: {  	_ =	shalt  }
0x5a: {  	_ =	shalt  }
0x5b: {  	_ =	shalt  }
0x5c: {  	_ =	shalt  }
0x5d: {  	_ =	shalt  }
0x5e: {  	_ =	shalt  }
0x5f: {  	_ =	shalt  }
0x60: {  	_ =	shalt  }
0x61: {  	_ =	shalt  }
0x62: {  	_ =	shalt  }
0x63: {  	_ =	shalt  }
0x64: {  	_ =	shalt  }
0x65: {  	_ =	shalt  }
0x66: {  	_ =	shalt  }
0x67: {  	_ =	shalt  }
0x68: {  	_ =	shalt  }
0x69: {  	_ =	shalt  }
0x6a: {  	_ =	shalt  }
0x6b: {  	_ =	shalt  }
0x6c: {  	_ =	shalt  }
0x6d: {  	_ =	shalt  }
0x6e: {  	_ =	shalt  }
0x6f: {  	_ =	shalt  }
0x70: {  	_ =	shalt  }
0x71: {  	_ =	shalt  }
0x72: {  	_ =	shalt  }
0x73: {  	_ =	shalt  }
0x74: {  	_ =	shalt  }
0x75: {  	_ =	shalt  }
0x76: {  	_ =	shalt  }
0x77: {  	_ =	shalt  }
0x78: {  	_ =	shalt  }
0x79: {  	_ =	shalt  }
0x7a: {  	_ =	shalt  }
0x7b: {  	_ =	shalt  }
0x7c: {  	_ =	shalt  }
0x7d: {  	_ =	shalt  }
0x7e: {  	_ =	shalt  }
0x7f: {  	_ =	shalt  }
0x80: {  	_ =	shalt  }
0x81: {  	_ =	shalt  }
0x82: {  	_ =	shalt  }
0x83: {  	_ =	shalt  }
0x84: {  	_ =	shalt  }
0x85: {  	_ =	shalt  }
0x86: {  	_ =	shalt  }
0x87: {  	_ =	shalt  }
.Lfunc_end0:
.L_simem_size_0:
called_computation_lowered:
.L_overlay_start_0:
0x88: {  	s2 =	sld [smem:$0x3FD9]  }
0x89: {  	s3 =	sld [smem:$0x3FFE];
	_ =	sdelay $0x1  }
0x8a: {  	s1 =	srdreg.scid  }
0x8b: {  	s0 =	sand.u32 $0x1, s1  }
0x8c: {  	s17 =	sshll.u32 s0, $0xA;
	s2 =	sadd.s32 s3, s2  }
0x8d: {  	s2 =	sadd.s32 s2, s17  }
0x8e: {  	[smem:$0x3FBE] =	sst s2  }
0x8f: {  	_ = 	snop  }
0x90: {  	s2 =	sld [smem:$0x3FD0];
	(tm) =	ssettm $0x1  }
0x91: {  	s18 =	sld [smem:$0x3FFB];
	_ =	sdelay $0x3  }
0x92: {  	_ =	strace s18  }
0x93: {  	s3 =	sld [smem:$0x3FFC];
	_ =	sdelay $0x3  }
0x94: {  	_ =	strace s3  }
0x95: {  	s3 =	sld [smem:$0x3FFD];
	_ =	sdelay $0x3  }
0x96: {  	_ =	strace s3  }
0x97: {  	_ =	strace $0x8FFFFFFF  }
0x98: {  	s19 =	sld [smem:$0x3FDB];
	_ =	sdelay $0x1  }
0x99: {  	s4 =	simm.s32 $_scs_section_size  }
0x9a: {  	s5 =	simm.s32 $_size__tile_overlayer_lowered;
	s6 =	simm.s32 $_tile_overlayer_lowered  }
0x9b: {  	s22 =	simm.s32 $0x1BFF;
	s21 =	sshll.u32 s6, $0x1;
	s3 =	sadd.s32 s4, s19  }
0x9c: {  	s7 =	simm.s32 $0x0;
	s20 =	sshll.u32 s5, $0x1;
	s5 =	sadd.s32 s21, s3  }
0x9d: {  	[timem:s7], [sflag:s22] =	dma.local [hbm:s5], s20  }
0x9e: {  	_ =	swait.ge [sflag:s22], s20  }
0x9f: {  	s4 =	ssub.s32 $0x0, s20;
	[sflag:s22] =	ssyncset.done $0x0  }
0xa0: {  	[sflag:s22] =	ssyncadd.s32 s4;
	_ =	sdelay $0x1  }
0xa1: {  	s23 =	simm.s32 $0x1B8B  }
0xa2: {  	_ =	swait.ge [sflag:s23], $0x1  }
0xa3: {  	[sflag:s23] =	ssyncset.done $0x0  }
0xa4: {  	s25 =	simm.s32 $0x1B8E;
	s24 =	sld [smem:$0x3FFE];
	[sflag:s23] =	ssyncadd.s32 $0xFFFFFFFF  }
0xa5: {  	s26 =	simm.s32 $execute0_lowered;
	[smem:$0x3FD2] =	sst s25  }
0xa6: {  	s5 =	sshll.u32 s26, $0x1;
	_ =	strace $0x80000046;
	[dreg:$0x1] =	wrdreg $0xFFFFFFFF  }
0xa7: {  	s28 =	simm.s32 $_size_execute0_lowered;
	s3 =	sadd.s32 s3, s5;
	[dreg:$0x0] =	wrdreg $0x0  }
0xa8: {  	s5 =	sshll.u32 s28, $0x1;
	[dreg:$0x2] =	wrdreg s3  }
0xa9: {  	[dreg:$0x3] =	wrdreg s5  }
0xaa: {  	[dreg:$0x4] =	wrdreg $0xC0  }
0xab: {  	_ =	task [dreg:s7], $0x5FFFF  }
0xac: {  	[dreg:$0x1] =	wrdreg $0xFFFFFFFF  }
0xad: {  	[dreg:$0x0] =	wrdreg $0x60  }
0xae: {  	[dreg:$0x2] =	wrdreg s2  }
0xaf: {  	[dreg:$0x3] =	wrdreg s24  }
0xb0: {  	[dreg:$0x4] =	wrdreg $0x9  }
0xb1: {  	_ =	task.clear_ibuf [dreg:s7], $0x5FFFF;
	_ =	strace $0x90000046  }
0xb2: {  	s29 =	simm.s32 $0x9;
	_ =	strace $0x80000048  }
0xb3: {  	_ =	swait.ge [sflag:s29], $0x1  }
0xb4: {  	[sflag:s29] =	ssyncadd.s32 $0xFFFFFFFF  }
0xb5: {  	_ =	strace $0x90000048  }
0xb6: {  	_ =	sfence  }
0xb7: {  	s30 =	sld [smem:$0x0];
	_ =	sdelay $0x2  }
0xb8: {  	s31 =	sshll.u32 s1, $0xD;
	s1 =	sshrl.u32 s1, $0x2  }
0xb9: {  	s3 =	sand.u32 $0x4000, s31;
	s1 =	sadd.s32 s1, s30  }
0xba: {  	s0 =	sor.u32 s3, s0;
	s1 =	sshll.u32 s1, $0x11  }
0xbb: {  	s0 =	sor.u32 s1, s0  }
0xbc: {  	s0 =	sadd.s32 $0x8F2B, s0  }
0xbd: {  	[sflag:s0] =	ssyncadd.remote.s32 $0x1  }
0xbe: {  	_ =	sfence.sel $0xFFFF  }
0xbf: {  	[dreg:$0x0] =	wrdreg $0xFFFFFFFF;
	(pc) =	sbr.abs _section_cstart, $3  }
0xc0: {  	[dreg:$0x1] =	wrdreg $0xFFFFFFFF  }
0xc1: {  	_ =	task.clear_ibuf [dreg:s7], $0x2FFFF;
	_ =	strace $0x9FFFFFFF  }
0xc2: {  	(tm) =	ssettm $0x7FFFFFFF  }
0xc3: {  	_ =	shalt  }
tec
execute0_lowered:
.L_overlay_start_1:
0x0: {  	(tag) =	ssettag $0x1  }
0x1: {  	s2 =	rddreg [dreg:$0x0]  }
0x2: {  	s4 =	rddreg [dreg:$0x1];
	s3 =	srdreg.scid  }
0x3: {  	s1 =	stileid.u32;
	s0 =	rddreg [dreg:$0x2];
	s10 =	simm.s32 $0x2800  }
0x4: {  	s11 =	simm.s32 $0x80;
	s12 =	simm.s32 $0x1;
	s13 =	simm.s32 $0x2  }
0x5: {  	s14 =	simm.s32 $0x3;
	s5 =	sand.u32 $0x1, s3;
	s6 =	smul.u32 $0x280000, s1  }
0x6: {  	s3 =	simm.s32 $0x0;
	s7 =	sshll.u32 s1, $0x1;
	s8 =	smul.u32 $0x140000, s5  }
0x7: {  	s15 =	simm.s32 $0x0;
	[smem:$0x7FF] =	sst s3;
	s7 =	sor.u32 s5, s7  }
0x8: {  	s5 =	ssub.s32 $0x2, s5;
	s7 =	smul.u32 $0x500, s7;
	s6 =	sadd.s32 s8, s6  }
0x9: {  	_ =	strace $0x80000047;
	s30 =	sshrl.u32 s5, $0x1;
	s6 =	sshrl.u32 s6, $0x4  }
0xa: {  	s31 =	ssub.s32 s5, s30;
	s7 =	sadd.s32 s7, s4;
	s9 =	sadd.s32 s6, s4  }
0xb: {  	s4 =	sadd.s32 $0x17000, s7;
	s5 =	sadd.s32 $0xD000, s7;
	s6 =	smax.u32 s31, $0x1  }
0xc: {  	s7 =	sadd.s32 $0x21000, s9;
	s8 =	sadd.s32 $0x2A1000, s9;
	s9 =	simm.s32 $0x4  }
.LBB2_1:
0xd: {  	[tilespmem:s3], [sflag:$0x4] =	stream.linear.gather [hbm4b:s4+s3], $0x2800, $0x38;
	[tilespmem:$0x15000] =	vst v63  }
0xe: {  	_ =	swait.ge [sflag:s9], $0x2800  }
0xf: {  	[sflag:s9] =	ssyncset.done $0x0  }
0x10: {  	[sflag:s9] =	ssyncadd.s32 $0xFFFFD800  }
0x11: {  	[tilespmem:s10], [sflag:$0x4] =	stream.linear.gather [hbm4b:s5+s3], $0x2800, $0x38;
	[tilespmem:$0x15000] =	vst v63  }
0x12: {  	_ =	swait.ge [sflag:s9], $0x2800  }
0x13: {  	p0 =	por $0x1, $0x1;
	[sflag:s9] =	ssyncset.done $0x0  }
0x14: {  	s16 =	simm.s32 @!p0 $0x3;
	[sflag:s9] =	ssyncadd.s32 $0xFFFFD800  }
0x15: {  	_ =	swait.ge @!p0 [sflag:s16], $0x4000  }
0x16: {  	[sflag:s16] =	ssyncset.done @!p0 $0x0  }
0x17: {  	[sflag:s16] =	ssyncadd.s32 @!p0 $0xFFFFC000  }
0x18: {  	s17 =	sand.u32 $0x8000, s3;
	_ =	swait.ge @!p0 [sflag:s16], $0x4000  }
0x19: {  	s18 =	simm.s32 $0x0;
	s19 =	sshrl.u32 s17, $0x1;
	[sflag:s16] =	ssyncset.done @!p0 $0x0  }
0x1a: {  	s17 =	sor.u32 $0x4000, s17;
	s28 =	sadd.s32 $0x5000, s19;
	[sflag:s16] =	ssyncadd.s32 @!p0 $0xFFFFC000  }
0x1b: {  	[tilespmem:s28], [sflag:$0x1] =	stream.indirect.gather [hbm4b:s2+s11], $0x40, s18, s11, $0xb8;
	[tilespmem:$0x15000] =	vst v63  }
0x1c: {  	s29 =	simm.s32 $0x2800;
	s17 =	sshrl.u32 s17, $0x1;
	s19 =	sadd.s32 $0xD000, s19  }
0x1d: {  	[tilespmem:s19], [sflag:$0x2] =	stream.indirect.gather [hbm4b:s2+s11], $0x40, s29, s11, $0xb8;
	[tilespmem:$0x15000] =	vst v63  }
0x1e: {  	s20 =	simm.s32 $0x80;
	s30 =	sadd.s32 $0x5000, s17  }
0x1f: {  	[tilespmem:s30], [sflag:$0x1] =	stream.indirect.gather [hbm4b:s2+s11], $0x40, s20, s11, $0xb8;
	[tilespmem:$0x15000] =	vst v63  }
0x20: {  	s31 =	simm.s32 $0x2880;
	s17 =	sadd.s32 $0xD000, s17  }
0x21: {  	[tilespmem:s17], [sflag:$0x2] =	stream.indirect.gather [hbm4b:s2+s11], $0x40, s31, s11, $0xb8;
	[tilespmem:$0x15000] =	vst v63  }
0x22: {  	_ =	swait.ge [sflag:s12], $0x2000  }
0x23: {  	[sflag:s12] =	ssyncset.done $0x0  }
0x24: {  	[sflag:s12] =	ssyncadd.s32 $0xFFFFE000  }
0x25: {  	_ =	swait.ge [sflag:s13], $0x2000  }
0x26: {  	[sflag:s13] =	ssyncset.done $0x0  }
0x27: {  	[sflag:s13] =	ssyncadd.s32 $0xFFFFE000  }
0x28: {  	_ =	swait.ge [sflag:s12], $0x2000  }
0x29: {  	[sflag:s12] =	ssyncset.done $0x0  }
0x2a: {  	s22 =	simm.s32 $0x400;
	s21 =	simm.s32 $0x1;
	[sflag:s12] =	ssyncadd.s32 $0xFFFFE000  }
0x2b: {  	p1 =	por $0x1, $0x1;
	s23 =	smov.u32 s7;
	_ =	swait.ge [sflag:s13], $0x2000  }
0x2c: {  	s16 =	smov.u32 s7;
	s18 =	simm.s32 $0x8000;
	[sflag:s13] =	ssyncset.done $0x0  }
0x2d: {  	s20 =	simm.s32 $0x800;
	s17 =	sadd.s32 $0x800, s8;
	[sflag:s13] =	ssyncadd.s32 $0xFFFFE000  }
0x2e: {  	[hbm4b:s8+s3] =	stream.linear.scatter [tilespmem:s28], [sflag:$0x3], $0x4000, $0x38;
	[tilespmem:$0x15000] =	vst v63  }
.LBB2_2:
0x2f: {  	s25 =	simm.s32 @!p1 $0x3;
	s16 =	sadd.s32 $0x800, s16  }
0x30: {  	s26 =	smov.u32 s20;
	s20 =	sadd.s32 $0x400, s20;
	s24 =	smov.u32 s17  }
0x31: {  	[hbm4b:s23+s3] =	stream.linear.scatter [tilespmem:s19], [sflag:$0x3], $0x4000, $0x38;
	[tilespmem:$0x15000] =	vst v63  }
0x32: {  	p0 =	sne.s32 s20, $0xA000;
	s23 =	smov.u32 s16;
	_ =	swait.ge @!p1 [sflag:s25], $0x4000  }
0x33: {  	[sflag:s25] =	ssyncset.done @!p1 $0x0  }
0x34: {  	[sflag:s25] =	ssyncadd.s32 @!p1 $0xFFFFC000  }
0x35: {  	s28 =	sshra.s32 s22, $0x2;
	s19 =	sand.u32 $0x8000, s18;
	_ =	swait.ge @!p1 [sflag:s25], $0x4000  }
0x36: {  	s22 =	sshrl.u32 s19, $0x1;
	s19 =	sor.u32 $0x4000, s19;
	[sflag:s25] =	ssyncset.done @!p1 $0x0  }
0x37: {  	s29 =	sshrl.u32 s19, $0x1;
	[sflag:s25] =	ssyncadd.s32 @!p1 $0xFFFFC000;
	s25 =	sadd.s32 $0x5000, s22  }
0x38: {  	[tilespmem:s25], [sflag:$0x1] =	stream.indirect.gather [hbm4b:s2+s11], $0x40, s28, s11, $0xb8;
	[tilespmem:$0x15000] =	vst v63  }
0x39: {  	s30 =	sadd.s32 $0x2800, s28;
	s19 =	sadd.s32 $0xD000, s22;
	s22 =	smov.u32 s26  }
0x3a: {  	[tilespmem:s19], [sflag:$0x2] =	stream.indirect.gather [hbm4b:s2+s11], $0x40, s30, s11, $0xb8;
	[tilespmem:$0x15000] =	vst v63  }
0x3b: {  	s26 =	sadd.s32 $0x5000, s29;
	s30 =	sadd.s32 $0x80, s28  }
0x3c: {  	[tilespmem:s26], [sflag:$0x1] =	stream.indirect.gather [hbm4b:s2+s11], $0x40, s30, s11, $0xb8;
	[tilespmem:$0x15000] =	vst v63  }
0x3d: {  	s28 =	sadd.s32 $0x2880, s28;
	s26 =	sadd.s32 $0xD000, s29  }
0x3e: {  	[tilespmem:s26], [sflag:$0x2] =	stream.indirect.gather [hbm4b:s2+s11], $0x40, s28, s11, $0xb8;
	[tilespmem:$0x15000] =	vst v63  }
0x3f: {  	_ =	swait.ge [sflag:s12], $0x2000  }
0x40: {  	[sflag:s12] =	ssyncset.done $0x0  }
0x41: {  	[sflag:s12] =	ssyncadd.s32 $0xFFFFE000  }
0x42: {  	_ =	swait.ge [sflag:s13], $0x2000  }
0x43: {  	[sflag:s13] =	ssyncset.done $0x0  }
0x44: {  	[sflag:s13] =	ssyncadd.s32 $0xFFFFE000  }
0x45: {  	_ =	swait.ge [sflag:s12], $0x2000  }
0x46: {  	[sflag:s12] =	ssyncset.done $0x0  }
.Ltmp0:
0x47: {  	[sflag:s12] =	ssyncadd.s32 $0xFFFFE000;
	(pc) =	sbr.rel @p0 .LBB2_2-.Ltmp0, $4  }
0x48: {  	_ =	swait.ge [sflag:s13], $0x2000  }
0x49: {  	s21 =	sadd.s32 $0x1, s21;
	s18 =	sadd.s32 $0x8000, s18;
	[sflag:s13] =	ssyncset.done $0x0  }
0x4a: {  	s17 =	sadd.s32 $0x800, s17;
	p1 =	slt.u32 s21, $0x2;
	[sflag:s13] =	ssyncadd.s32 $0xFFFFE000  }
0x4b: {  	[hbm4b:s24+s3] =	stream.linear.scatter [tilespmem:s25], [sflag:$0x3], $0x4000, $0x38;
	[tilespmem:$0x15000] =	vst v63  }
0x4c: {  	s20 =	simm.s32 @!p1 $0x3  }
0x4d: {  	[hbm4b:s23+s3] =	stream.linear.scatter [tilespmem:s19], [sflag:$0x3], $0x4000, $0x38;
	[tilespmem:$0x15000] =	vst v63  }
0x4e: {  	_ =	swait.ge @!p1 [sflag:s20], $0x4000  }
0x4f: {  	[sflag:s20] =	ssyncset.done @!p1 $0x0  }
0x50: {  	[sflag:s20] =	ssyncadd.s32 @!p1 $0xFFFFC000  }
0x51: {  	s18 =	sand.u32 $0x8000, s18;
	_ =	swait.ge @!p1 [sflag:s20], $0x4000  }
0x52: {  	s28 =	sshra.s32 s22, $0x2;
	s21 =	sshrl.u32 s18, $0x1;
	[sflag:s20] =	ssyncset.done @!p1 $0x0  }
0x53: {  	s18 =	sor.u32 $0x4000, s18;
	s29 =	sadd.s32 $0x5000, s21;
	[sflag:s20] =	ssyncadd.s32 @!p1 $0xFFFFC000  }
0x54: {  	[tilespmem:s29], [sflag:$0x1] =	stream.indirect.gather [hbm4b:s2+s11], $0x40, s28, s11, $0xb8;
	[tilespmem:$0x15000] =	vst v63  }
0x55: {  	s22 =	sadd.s32 $0x2800, s28;
	s18 =	sshrl.u32 s18, $0x1;
	s21 =	sadd.s32 $0xD000, s21  }
0x56: {  	[tilespmem:s21], [sflag:$0x2] =	stream.indirect.gather [hbm4b:s2+s11], $0x40, s22, s11, $0xb8;
	[tilespmem:$0x15000] =	vst v63  }
0x57: {  	s31 =	sadd.s32 $0x80, s28;
	s30 =	sadd.s32 $0x5000, s18  }
0x58: {  	[tilespmem:s30], [sflag:$0x1] =	stream.indirect.gather [hbm4b:s2+s11], $0x40, s31, s11, $0xb8;
	[tilespmem:$0x15000] =	vst v63  }
0x59: {  	s19 =	sadd.s32 $0x2880, s28;
	s18 =	sadd.s32 $0xD000, s18  }
0x5a: {  	[tilespmem:s18], [sflag:$0x2] =	stream.indirect.gather [hbm4b:s2+s11], $0x40, s19, s11, $0xb8;
	[tilespmem:$0x15000] =	vst v63  }
0x5b: {  	_ =	swait.ge [sflag:s12], $0x2000  }
0x5c: {  	[sflag:s12] =	ssyncset.done $0x0  }
0x5d: {  	[sflag:s12] =	ssyncadd.s32 $0xFFFFE000  }
0x5e: {  	_ =	swait.ge [sflag:s13], $0x2000  }
0x5f: {  	[sflag:s13] =	ssyncset.done $0x0  }
0x60: {  	[sflag:s13] =	ssyncadd.s32 $0xFFFFE000  }
0x61: {  	_ =	swait.ge [sflag:s12], $0x2000  }
0x62: {  	[sflag:s12] =	ssyncset.done $0x0  }
0x63: {  	[sflag:s12] =	ssyncadd.s32 $0xFFFFE000  }
0x64: {  	_ =	swait.ge [sflag:s13], $0x2000  }
0x65: {  	[sflag:s13] =	ssyncset.done $0x0  }
0x66: {  	[sflag:s13] =	ssyncadd.s32 $0xFFFFE000  }
0x67: {  	[hbm4b:s17+s3] =	stream.linear.scatter [tilespmem:s29], [sflag:$0x3], $0x4000, $0x38;
	[tilespmem:$0x15000] =	vst v63  }
0x68: {  	s16 =	sadd.s32 $0x800, s16  }
0x69: {  	[hbm4b:s16+s3] =	stream.linear.scatter [tilespmem:s21], [sflag:$0x3], $0x4000, $0x38;
	[tilespmem:$0x15000] =	vst v63  }
0x6a: {  	_ =	swait.ge [sflag:s14], $0x4000  }
0x6b: {  	[sflag:s14] =	ssyncset.done $0x0  }
0x6c: {  	[sflag:s14] =	ssyncadd.s32 $0xFFFFC000  }
0x6d: {  	_ =	swait.ge [sflag:s14], $0x4000  }
0x6e: {  	[sflag:s14] =	ssyncset.done $0x0  }
0x6f: {  	s15 =	sadd.s32 $0x1, s15;
	[sflag:s14] =	ssyncadd.s32 $0xFFFFC000  }
0x70: {  	p0 =	sne.s32 s15, s6;
	_ =	swait.ge [sflag:s14], $0x4000  }
.Ltmp1:
0x71: {  	[sflag:s14] =	ssyncset.done $0x0;
	(pc) =	sbr.rel @p0 .LBB2_1-.Ltmp1, $4  }
0x72: {  	[sflag:s14] =	ssyncadd.s32 $0xFFFFC000  }
0x73: {  	_ =	swait.ge [sflag:s14], $0x4000  }
0x74: {  	[sflag:s14] =	ssyncset.done $0x0  }
0x75: {  	[sflag:s14] =	ssyncadd.s32 $0xFFFFC000  }
0x76: {  	_ =	sfence.sel $0x180000  }
0x77: {  	[bflag:$0x0] =	sbarrier.arrive $0xFFFF  }
0x78: {  	p0 =	sne.s32 s1, $0x0;
	_ =	strace $0x90000047  }
0x79: {  	s0 =	sadd.s32 @!p0 $0x100000, s0;
	[bflag:$0x2] =	sbarrier.arrive $0xFFFF  }
0x7a: {  	[sflag:s0] =	ssyncadd.tile.s32 @!p0 $0x1;
	_ =	shalt  }
.Lfunc_end2:
_tile_overlayer_lowered:
.L_overlay_start_2:
0x7b: {  	(tag) =	ssettag $0x2  }
0x7c: {  	s0 =	rddreg [dreg:$0x0];
	s2 =	stileid.u32  }
0x7d: {  	s1 =	rddreg [dreg:$0x1];
	p0 =	sne.s32 s2, $0x0  }
0x7e: {  	s3 =	rddreg [dreg:$0x2];
	[bflag:$0x3] =	sbarrier.arrive $0xFFFF;
	s2 =	simm.s32 @!p0 $0x1C04  }
0x7f: {  	[timem:s3], [sflag:s2] =	dma.local @!p0 [hbm:s0], s1  }
0x80: {  	s0 =	simm.s32 @!p0 $0x4  }
0x81: {  	_ =	swait.ge @!p0 [sflag:s0], s1  }
0x82: {  	s1 =	ssub.s32 @!p0 $0x0, s1;
	[sflag:s0] =	ssyncset.done @!p0 $0x0  }
0x83: {  	[sflag:s0] =	ssyncadd.s32 @!p0 s1  }
0x84: {  	[bflag:$0x3] =	sbarrier.arrive $0xFFFF  }
0x85: {  	_ =	shalt  }

// kernel: kernel.9.cloned.1.call-start
scs
__scs_entry_jumppad:
0x0: {  	(pc) =	sbr.rel $0x88, $3  }
0x1: {  	(tag) =	ssettag $0x0;
	lr =	simm.s32 $0x1  }
0x2: {  	[smem:$0x3F97] =	sst lr;
	_ =	strace $0xD0000000  }
0x3: {  	_ = 	snop  }
0x4: {  	_ = 	snop  }
0x5: {  	_ = 	snop  }
0x6: {  	_ = 	snop  }
0x7: {  	_ = 	snop  }
__scs_overlays_trampoline_lowered:
0x8: {  	[smem:$0x3FA6] =	sst s0  }
0x9: {  	[smem:$0x3FA7] =	sst s1  }
0xa: {  	[smem:$0x3FA8] =	sst s2  }
0xb: {  	[smem:$0x3FA9] =	sst s3  }
0xc: {  	[smem:$0x3FAA] =	sst s4  }
0xd: {  	[smem:$0x3FAB] =	sst s5  }
0xe: {  	[smem:$0x3FAC] =	sst s6  }
0xf: {  	[smem:$0x3FAD] =	sst s7  }
0x10: {  	[smem:$0x3FAE] =	sst s8  }
0x11: {  	[smem:$0x3FAF] =	sst s9;
	s0 =	simm.s32 @!p0 $0x0  }
0x12: {  	s1 =	sld [smem:$0x3F95];
	s0 =	simm.s32 @p0 $0x1  }
0x13: {  	[smem:$0x3FB0] =	sst s0;
	s0 =	simm.s32 @!p1 $0x0  }
0x14: {  	s2 =	sld [smem:$0x3F94];
	s0 =	simm.s32 @p1 $0x1  }
0x15: {  	[smem:$0x3FB1] =	sst s0;
	s0 =	simm.s32 @!p2 $0x0  }
0x16: {  	s3 =	sld [smem:$0x3FDB];
	s0 =	simm.s32 @p2 $0x1  }
0x17: {  	s4 =	simm.s32 $0x1BF5;
	[smem:$0x3FB3] =	sst s0  }
0x18: {  	s0 =	sld [smem:$0x3F96];
	_ =	swait.ge [sflag:s4], $0x0  }
0x19: {  	s7 =	sld [smem:$0x3F97]  }
0x1a: {  	s8 =	sadd.s32 $0xFFFFE003, lr  }
0x1b: {  	s9 =	sadd.s32 $0xFFFFFEF7, lr;
	s5 =	simm.s32 $0xFFFFFFFF;
	p2 =	slt.u32 s8, $0xFFFFF086  }
0x1c: {  	p1 =	slt.u32 s9, $0xF7A;
	s5 =	simm.s32 @!p2 $0x0  }
0x1d: {  	s5 =	simm.s32 @p1 $0x1;
	p0 =	seq.s32 s7, s2  }
0x1e: {  	s7 =	smul.u32 @!p0 $0xF7A, s2;
	p2 =	seq.s32 @!p0 s5, $0x0  }
0x1f: {  	s9 =	smul.u32 $0xF7A, s1;
	s8 =	simm.s32 @!p0 $0x1BF5;
	p2 =	por !p2, p0  }
0x20: {  	[sflag:s8] =	ssyncset.s32 @!p0 $0xFFFFF086;
	s6 =	sadd.s32 @!p0 s3, s7;
	s7 =	simm.s32 @!p0 $0x108  }
0x21: {  	s3 =	sadd.s32 s3, s9;
	s6 =	sadd.s32 @!p0 $0x88, s6;
	s7 =	simm.s32 @p2 $0x1082  }
0x22: {  	[simem:s7], [sflag:s8] =	dma.local @!p0 [hbm:s6], $0xF7A  }
0x23: {  	s9 =	sor.u32 $0xD0000000, s2;
	s6 =	simm.s32 $0x108;
	_ =	swait.ge @!p0 [sflag:s8], $0x0  }
0x24: {  	s3 =	sadd.s32 $0x88, s3;
	s6 =	simm.s32 @!p1 $0x1082;
	[sflag:s4] =	ssyncset.s32 $0xFFFFF086  }
0x25: {  	[simem:s6], [sflag:s4] =	dma.local [hbm:s3], $0xF7A  }
0x26: {  	[smem:$0x3F97] =	sst s1;
	(tag) =	ssettag s2;
	_ =	strace s9  }
0x27: {  	s1 =	sld [smem:$0x3FA7]  }
0x28: {  	s2 =	sld [smem:$0x3FA8]  }
0x29: {  	s4 =	sld [smem:$0x3FAA]  }
0x2a: {  	p0 =	seq.s32 s5, $0x0;
	s5 =	sld [smem:$0x3FAB]  }
0x2b: {  	s6 =	sld [smem:$0x3FAC]  }
0x2c: {  	s7 =	sld [smem:$0x3FAD]  }
0x2d: {  	s3 =	simm.s32 $0x108;
	s8 =	sld [smem:$0x3FAE]  }
0x2e: {  	s3 =	simm.s32 @!p0 $0x1082;
	s9 =	sld [smem:$0x3FAF]  }
0x2f: {  	lr =	sadd.s32 s0, s3;
	s0 =	sld [smem:$0x3FA6]  }
0x30: {  	s3 =	sld [smem:$0x3FA9]  }
0x31: {  	[smem:$0x3FB2] =	sst s10  }
0x32: {  	s10 =	sld [smem:$0x3FB0];
	_ =	sdelay $0x3  }
0x33: {  	p0 =	seq.s32 s10, $0x1;
	s10 =	sld [smem:$0x3FB2];
	_ =	sdelay $0x3  }
0x34: {  	[smem:$0x3FB2] =	sst s10  }
0x35: {  	s10 =	sld [smem:$0x3FB1];
	_ =	sdelay $0x3  }
0x36: {  	p1 =	seq.s32 s10, $0x1;
	s10 =	sld [smem:$0x3FB2];
	_ =	sdelay $0x3  }
0x37: {  	[smem:$0x3FB2] =	sst s10  }
0x38: {  	s10 =	sld [smem:$0x3FB3]  }
0x39: {  	_ = 	snop;
	(pc) =	sbr.ind lr, $3  }
0x3a: {  	_ = 	snop  }
0x3b: {  	_ = 	snop  }
0x3c: {  	p2 =	seq.s32 s10, $0x1;
	s10 =	sld [smem:$0x3FB2]  }
0x3d: {  	_ =	shalt  }
0x3e: {  	_ =	shalt  }
0x3f: {  	_ =	shalt  }
0x40: {  	_ =	shalt  }
0x41: {  	_ =	shalt  }
0x42: {  	_ =	shalt  }
0x43: {  	_ =	shalt  }
0x44: {  	_ =	shalt  }
0x45: {  	_ =	shalt  }
0x46: {  	_ =	shalt  }
0x47: {  	_ =	shalt  }
0x48: {  	_ =	shalt  }
0x49: {  	_ =	shalt  }
0x4a: {  	_ =	shalt  }
0x4b: {  	_ =	shalt  }
0x4c: {  	_ =	shalt  }
0x4d: {  	_ =	shalt  }
0x4e: {  	_ =	shalt  }
0x4f: {  	_ =	shalt  }
0x50: {  	_ =	shalt  }
0x51: {  	_ =	shalt  }
0x52: {  	_ =	shalt  }
0x53: {  	_ =	shalt  }
0x54: {  	_ =	shalt  }
0x55: {  	_ =	shalt  }
0x56: {  	_ =	shalt  }
0x57: {  	_ =	shalt  }
0x58: {  	_ =	shalt  }
0x59: {  	_ =	shalt  }
0x5a: {  	_ =	shalt  }
0x5b: {  	_ =	shalt  }
0x5c: {  	_ =	shalt  }
0x5d: {  	_ =	shalt  }
0x5e: {  	_ =	shalt  }
0x5f: {  	_ =	shalt  }
0x60: {  	_ =	shalt  }
0x61: {  	_ =	shalt  }
0x62: {  	_ =	shalt  }
0x63: {  	_ =	shalt  }
0x64: {  	_ =	shalt  }
0x65: {  	_ =	shalt  }
0x66: {  	_ =	shalt  }
0x67: {  	_ =	shalt  }
0x68: {  	_ =	shalt  }
0x69: {  	_ =	shalt  }
0x6a: {  	_ =	shalt  }
0x6b: {  	_ =	shalt  }
0x6c: {  	_ =	shalt  }
0x6d: {  	_ =	shalt  }
0x6e: {  	_ =	shalt  }
0x6f: {  	_ =	shalt  }
0x70: {  	_ =	shalt  }
0x71: {  	_ =	shalt  }
0x72: {  	_ =	shalt  }
0x73: {  	_ =	shalt  }
0x74: {  	_ =	shalt  }
0x75: {  	_ =	shalt  }
0x76: {  	_ =	shalt  }
0x77: {  	_ =	shalt  }
0x78: {  	_ =	shalt  }
0x79: {  	_ =	shalt  }
0x7a: {  	_ =	shalt  }
0x7b: {  	_ =	shalt  }
0x7c: {  	_ =	shalt  }
0x7d: {  	_ =	shalt  }
0x7e: {  	_ =	shalt  }
0x7f: {  	_ =	shalt  }
0x80: {  	_ =	shalt  }
0x81: {  	_ =	shalt  }
0x82: {  	_ =	shalt  }
0x83: {  	_ =	shalt  }
0x84: {  	_ =	shalt  }
0x85: {  	_ =	shalt  }
0x86: {  	_ =	shalt  }
0x87: {  	_ =	shalt  }
.Lfunc_end0:
.L_simem_size_0:
called_computation.1_lowered:
.L_overlay_start_0:
0x88: {  	s2 =	sld [smem:$0x3FD9]  }
0x89: {  	s3 =	sld [smem:$0x3FFE];
	_ =	sdelay $0x1  }
0x8a: {  	s1 =	srdreg.scid  }
0x8b: {  	s0 =	sand.u32 $0x1, s1  }
0x8c: {  	s17 =	sshll.u32 s0, $0xA;
	s2 =	sadd.s32 s3, s2  }
0x8d: {  	s2 =	sadd.s32 s2, s17  }
0x8e: {  	[smem:$0x3FBE] =	sst s2  }
0x8f: {  	_ = 	snop  }
0x90: {  	s2 =	sld [smem:$0x3FD0];
	(tm) =	ssettm $0x1  }
0x91: {  	s18 =	sld [smem:$0x3FFB];
	_ =	sdelay $0x3  }
0x92: {  	_ =	strace s18  }
0x93: {  	s3 =	sld [smem:$0x3FFC];
	_ =	sdelay $0x3  }
0x94: {  	_ =	strace s3  }
0x95: {  	s3 =	sld [smem:$0x3FFD];
	_ =	sdelay $0x3  }
0x96: {  	_ =	strace s3  }
0x97: {  	_ =	strace $0x8FFFFFFF  }
0x98: {  	s19 =	sld [smem:$0x3FDB];
	_ =	sdelay $0x1  }
0x99: {  	s4 =	simm.s32 $_scs_section_size  }
0x9a: {  	s5 =	simm.s32 $_size__tile_overlayer_lowered;
	s6 =	simm.s32 $_tile_overlayer_lowered  }
0x9b: {  	s22 =	simm.s32 $0x1BFF;
	s21 =	sshll.u32 s6, $0x1;
	s3 =	sadd.s32 s4, s19  }
0x9c: {  	s7 =	simm.s32 $0x0;
	s20 =	sshll.u32 s5, $0x1;
	s5 =	sadd.s32 s21, s3  }
0x9d: {  	[timem:s7], [sflag:s22] =	dma.local [hbm:s5], s20  }
0x9e: {  	_ =	swait.ge [sflag:s22], s20  }
0x9f: {  	s4 =	ssub.s32 $0x0, s20;
	[sflag:s22] =	ssyncset.done $0x0  }
0xa0: {  	[sflag:s22] =	ssyncadd.s32 s4;
	_ =	sdelay $0x1  }
0xa1: {  	s23 =	simm.s32 $0x1B8B  }
0xa2: {  	_ =	swait.ge [sflag:s23], $0x1  }
0xa3: {  	[sflag:s23] =	ssyncset.done $0x0  }
0xa4: {  	s25 =	simm.s32 $0x1B8E;
	s24 =	sld [smem:$0x3FFE];
	[sflag:s23] =	ssyncadd.s32 $0xFFFFFFFF  }
0xa5: {  	s26 =	simm.s32 $execute0_lowered;
	[smem:$0x3FD2] =	sst s25  }
0xa6: {  	s5 =	sshll.u32 s26, $0x1;
	_ =	strace $0x80000049;
	[dreg:$0x1] =	wrdreg $0xFFFFFFFF  }
0xa7: {  	s28 =	simm.s32 $_size_execute0_lowered;
	s3 =	sadd.s32 s3, s5;
	[dreg:$0x0] =	wrdreg $0x0  }
0xa8: {  	s5 =	sshll.u32 s28, $0x1;
	[dreg:$0x2] =	wrdreg s3  }
0xa9: {  	[dreg:$0x3] =	wrdreg s5  }
0xaa: {  	[dreg:$0x4] =	wrdreg $0xC0  }
0xab: {  	_ =	task [dreg:s7], $0x5FFFF  }
0xac: {  	[dreg:$0x1] =	wrdreg $0xFFFFFFFF  }
0xad: {  	[dreg:$0x0] =	wrdreg $0x60  }
0xae: {  	[dreg:$0x2] =	wrdreg s24  }
0xaf: {  	[dreg:$0x3] =	wrdreg s2  }
0xb0: {  	[dreg:$0x4] =	wrdreg $0x128000  }
0xb1: {  	[dreg:$0x5] =	wrdreg $0x178000  }
0xb2: {  	[dreg:$0x6] =	wrdreg $0x9  }
0xb3: {  	_ =	task.clear_ibuf [dreg:s7], $0x7FFFF;
	_ =	strace $0x90000049  }
0xb4: {  	s29 =	simm.s32 $0x9;
	_ =	strace $0x8000004B  }
0xb5: {  	_ =	swait.ge [sflag:s29], $0x1  }
0xb6: {  	[sflag:s29] =	ssyncadd.s32 $0xFFFFFFFF  }
0xb7: {  	_ =	strace $0x9000004B  }
0xb8: {  	_ =	sfence  }
0xb9: {  	s30 =	sld [smem:$0x0];
	_ =	sdelay $0x2  }
0xba: {  	s31 =	sshll.u32 s1, $0xD;
	s1 =	sshrl.u32 s1, $0x2  }
0xbb: {  	s3 =	sand.u32 $0x4000, s31;
	s1 =	sadd.s32 s1, s30  }
0xbc: {  	s0 =	sor.u32 s3, s0;
	s1 =	sshll.u32 s1, $0x11  }
0xbd: {  	s0 =	sor.u32 s1, s0  }
0xbe: {  	s0 =	sadd.s32 $0x8F2B, s0  }
0xbf: {  	[sflag:s0] =	ssyncadd.remote.s32 $0x1  }
0xc0: {  	_ =	sfence.sel $0xFFFF  }
0xc1: {  	[dreg:$0x0] =	wrdreg $0xFFFFFFFF;
	(pc) =	sbr.abs _section_cstart, $3  }
0xc2: {  	[dreg:$0x1] =	wrdreg $0xFFFFFFFF  }
0xc3: {  	_ =	task.clear_ibuf [dreg:s7], $0x2FFFF;
	_ =	strace $0x9FFFFFFF  }
0xc4: {  	(tm) =	ssettm $0x7FFFFFFF  }
0xc5: {  	_ =	shalt  }
tec
execute0_lowered:
.L_overlay_start_1:
0x0: {  	(tag) =	ssettag $0x1  }
0x1: {  	s0 =	rddreg [dreg:$0x0]  }
0x2: {  	s1 =	rddreg [dreg:$0x1]  }
0x3: {  	s2 =	rddreg [dreg:$0x2]  }
0x4: {  	s4 =	srdreg.scid;
	s19 =	stileid.u32  }
0x5: {  	s3 =	rddreg [dreg:$0x3];
	s28 =	simm.s32 $0x2700;
	s29 =	simm.s32 $0x8800  }
0x6: {  	s30 =	simm.s32 $0x2780;
	s31 =	simm.s32 $0x9800;
	s5 =	sand.u32 $0x1, s4  }
0x7: {  	s6 =	sshll.u32 s19, $0x1;
	s8 =	sadd.s32 $0x143200, s0;
	s12 =	sadd.s32 $0x2A1200, s0  }
0x8: {  	s4 =	simm.s32 $0x0;
	s13 =	sadd.s32 $0x297200, s0;
	s9 =	smul.u32 $0x5000, s19  }
0x9: {  	s15 =	sadd.s32 $0x3200, s0;
	s14 =	sadd.s32 $0x28D200, s0;
	s16 =	smul.u32 $0x2800, s19  }
0xa: {  	s10 =	sadd.s32 $0x288200, s0;
	s22 =	smul.u32 $0xA0000, s19;
	s6 =	sor.u32 s5, s6  }
0xb: {  	s11 =	ssub.s32 $0x2, s5;
	p0 =	seq.s32 s5, $0x0;
	s5 =	smul.u32 $0x50000, s5  }
0xc: {  	s19 =	simm.s32 $0x2800;
	[smem:$0x7FF] =	sst s4;
	s7 =	smul.u32 $0x500, s6  }
0xd: {  	_ =	strace $0x8000004A;
	s17 =	sshrl.u32 s11, $0x1;
	s18 =	smul.u32 $0xA000, s6  }
0xe: {  	s6 =	sadd.s32 s9, s2;
	s23 =	sshrl.u32 s9, $0x3;
	s12 =	smov.u32 @p0 s1  }
0xf: {  	s14 =	smov.u32 @p0 s13;
	s11 =	ssub.s32 s11, s17;
	s26 =	sadd.s32 s5, s22  }
0x10: {  	s1 =	sadd.s32 s12, s23;
	s13 =	sadd.s32 s14, s23;
	s17 =	simm.s32 $0xB000  }
0x11: {  	s22 =	simm.s32 $0xA800;
	s23 =	simm.s32 $0x2600;
	s7 =	sadd.s32 s7, s0  }
0x12: {  	s0 =	sadd.s32 $0x283200, s0;
	s21 =	sadd.s32 s8, s18;
	s24 =	sadd.s32 s15, s18  }
0x13: {  	s25 =	smax.u32 s11, $0x1;
	[dreg:$0xa] =	wrdreg s1;
	s18 =	simm.s32 $0x10000  }
0x14: {  	s1 =	simm.s32 $0x0;
	s20 =	sadd.s32 $0x521200, s7;
	[dreg:$0x6] =	wrdreg s21  }
0x15: {  	s7 =	sadd.s32 s16, s3;
	s16 =	sshrl.u32 s16, $0x3;
	[dreg:$0x7] =	wrdreg s24  }
0x16: {  	s0 =	smov.u32 @p0 s10;
	[dreg:$0x8] =	wrdreg s25;
	s21 =	simm.s32 $0x80  }
0x17: {  	s24 =	simm.s32 $0x6800;
	[dreg:$0x5] =	wrdreg s20;
	s0 =	sadd.s32 s0, s16  }
0x18: {  	s25 =	simm.s32 $0x2680;
	[dreg:$0x9] =	wrdreg s0;
	s0 =	sor.u32 $0x4000, s26  }
0x19: {  	s16 =	simm.s32 $0x2;
	s20 =	simm.s32 $0x1;
	s0 =	sshrl.u32 s0, $0x3  }
0x1a: {  	v0 =	vimm.f32 $0.0e+00;
	v1 =	vimm.f32 $1.000000000e+00;
	s26 =	simm.s32 $0x7800;
	s14 =	sadd.s32 s0, s8;
	s15 =	sadd.s32 s0, s15  }
.LBB2_1:
0x1b: {  	s0 =	rddreg [dreg:$0x5]  }
0x1c: {  	[tilespmem:s4], [sflag:$0x2] =	stream.linear.gather [hbm4b:s0+s4], $0x2800, $0x38;
	[tilespmem:$0x1A000] =	vst v63  }
0x1d: {  	_ =	swait.ge [sflag:s16], $0x2800  }
0x1e: {  	[sflag:s16] =	ssyncset.done $0x0  }
0x1f: {  	s5 =	simm.s32 $0x0;
	s0 =	simm.s32 $0xB010;
	[sflag:s16] =	ssyncadd.s32 $0xFFFFD800  }
.LBB2_2:
0x20: {  	p0 =	sne.s32 s5, $0x9FC0  }
.Ltmp0:
0x21: {  	_ = 	snop;
	(pc) =	sbr.rel @p0 .LBB2_2-.Ltmp0, $4  }
0x22: {  	_ = 	snop  }
0x23: {  	[tilespmem:s0+$0xFFFFFFF0] =	vst v0  }
0x24: {  	[tilespmem:s0+$0x0] =	vst v0;
	s8 =	sshra.s32 s5, $0x2  }
0x25: {  	s0 =	sadd.s32 $0x20, s0;
	s5 =	sadd.s32 $0x40, s5;
	[tilespmem:s8+$0x10000] =	vst v0  }
0x26: {  	s0 =	simm.s32 $0x40;
	s5 =	simm.s32 $0x0  }
.LBB2_4:
0x27: {  	p0 =	sne.s32 s0, $0x1FC0;
	[tilespmem:s5+$0xA800] =	vst v1;
	s5 =	smov.u32 s0;
	s0 =	sadd.s32 $0x40, s0  }
.Ltmp1:
0x28: {  	(pc) =	sbr.rel @p0 .LBB2_4-.Ltmp1, $2  }
0x29: {  	_ =	sdelay $0x2  }
0x2a: {  	s5 =	sshra.s32 s5, $0x2  }
0x2b: {  	[tilespmem:s5+$0xA800] =	vst v1  }
0x2c: {  	[spmem:s6] =	stream.linear.scatter [tilespmem:s17], [sflag:$0x2], $0x5000, $0x38;
	[tilespmem:$0x1A000] =	vst v63  }
0x2d: {  	_ =	swait.ge [sflag:s16], $0x5000  }
0x2e: {  	[sflag:s16] =	ssyncset.done $0x0  }
0x2f: {  	[sflag:s16] =	ssyncadd.s32 $0xFFFFB000  }
0x30: {  	[spmem:s7] =	stream.linear.scatter [tilespmem:s18], [sflag:$0x2], $0x2800, $0x38;
	[tilespmem:$0x1A000] =	vst v63  }
0x31: {  	_ =	swait.ge [sflag:s16], $0x2800  }
0x32: {  	[sflag:s16] =	ssyncset.done $0x0  }
0x33: {  	[sflag:s16] =	ssyncadd.s32 $0xFFFFD800  }
0x34: {  	[bflag:$0x0] =	sbarrier.arrive $0xFFFF  }
0x35: {  	s0 =	simm.s32 $0x0;
	s10 =	rddreg [dreg:$0x6]  }
0x36: {  	[tilespmem:s19], [sflag:$0x1] =	stream.linear.gather [hbm4b:s10+s0], $0x4000, $0x38;
	[tilespmem:$0x1A000] =	vst v63  }
0x37: {  	s5 =	simm.s32 $0x4000;
	s8 =	sadd.s32 $0x0, s14;
	_ =	swait.ge [sflag:s20], $0x4000  }
0x38: {  	s9 =	sand.u32 $0x4000, s5;
	s10 =	simm.s32 $0x0;
	[sflag:s20] =	ssyncset.done $0x0  }
0x39: {  	s9 =	sor.u32 $0x2800, s9;
	s10 =	sand.u32 $0x4000, s10;
	[sflag:s20] =	ssyncadd.s32 $0xFFFFC000  }
0x3a: {  	[tilespmem:s9], [sflag:$0x1] =	stream.linear.gather [hbm4b:s8+s4], $0x4000, $0x38;
	[tilespmem:$0x1A000] =	vst v63  }
0x3b: {  	s12 =	simm.s32 $0x0;
	s11 =	sor.u32 $0x2800, s10  }
0x3c: {  	[spmem:s2] =	stream.indirect.scatter.add.f32 [tilespmem:s11], [sflag:$0x2], $0x20, s12, s21, $0xb8;
	[tilespmem:$0x1A000] =	vst v63  }
0x3d: {  	_ =	swait.ge [sflag:s16], $0x1000  }
0x3e: {  	[sflag:s16] =	ssyncset.done $0x0  }
0x3f: {  	[sflag:s16] =	ssyncadd.s32 $0xFFFFF000  }
0x40: {  	[spmem:s3] =	stream.indirect.scatter.add.f32 [tilespmem:s22], [sflag:$0x2], $0x10, s12, s21, $0xb8;
	[tilespmem:$0x1A000] =	vst v63  }
0x41: {  	_ =	swait.ge [sflag:s16], $0x800  }
0x42: {  	[sflag:s16] =	ssyncset.done $0x0  }
0x43: {  	s11 =	sor.u32 $0x3800, s10;
	s12 =	simm.s32 $0x80;
	[sflag:s16] =	ssyncadd.s32 $0xFFFFF800  }
0x44: {  	[spmem:s2] =	stream.indirect.scatter.add.f32 [tilespmem:s11], [sflag:$0x2], $0x20, s12, s21, $0xb8;
	[tilespmem:$0x1A000] =	vst v63  }
0x45: {  	_ =	swait.ge [sflag:s16], $0x1000  }
0x46: {  	[sflag:s16] =	ssyncset.done $0x0  }
0x47: {  	[sflag:s16] =	ssyncadd.s32 $0xFFFFF000  }
0x48: {  	[spmem:s3] =	stream.indirect.scatter.add.f32 [tilespmem:s22], [sflag:$0x2], $0x10, s12, s21, $0xb8;
	[tilespmem:$0x1A000] =	vst v63  }
0x49: {  	_ =	swait.ge [sflag:s16], $0x800  }
0x4a: {  	[sflag:s16] =	ssyncset.done $0x0  }
0x4b: {  	s11 =	sadd.s32 $0x4800, s10;
	s12 =	simm.s32 $0x100;
	[sflag:s16] =	ssyncadd.s32 $0xFFFFF800  }
0x4c: {  	[spmem:s2] =	stream.indirect.scatter.add.f32 [tilespmem:s11], [sflag:$0x2], $0x20, s12, s21, $0xb8;
	[tilespmem:$0x1A000] =	vst v63  }
0x4d: {  	_ =	swait.ge [sflag:s16], $0x1000  }
0x4e: {  	[sflag:s16] =	ssyncset.done $0x0  }
0x4f: {  	[sflag:s16] =	ssyncadd.s32 $0xFFFFF000  }
0x50: {  	[spmem:s3] =	stream.indirect.scatter.add.f32 [tilespmem:s22], [sflag:$0x2], $0x10, s12, s21, $0xb8;
	[tilespmem:$0x1A000] =	vst v63  }
0x51: {  	_ =	swait.ge [sflag:s16], $0x800  }
0x52: {  	[sflag:s16] =	ssyncset.done $0x0  }
0x53: {  	s11 =	sadd.s32 $0x5800, s10;
	s12 =	simm.s32 $0x180;
	[sflag:s16] =	ssyncadd.s32 $0xFFFFF800  }
0x54: {  	[spmem:s2] =	stream.indirect.scatter.add.f32 [tilespmem:s11], [sflag:$0x2], $0x20, s12, s21, $0xb8;
	[tilespmem:$0x1A000] =	vst v63  }
0x55: {  	_ =	swait.ge [sflag:s16], $0x1000  }
0x56: {  	[sflag:s16] =	ssyncset.done $0x0  }
0x57: {  	[sflag:s16] =	ssyncadd.s32 $0xFFFFF000  }
0x58: {  	[spmem:s3] =	stream.indirect.scatter.add.f32 [tilespmem:s22], [sflag:$0x2], $0x10, s12, s21, $0xb8;
	[tilespmem:$0x1A000] =	vst v63  }
0x59: {  	_ =	swait.ge [sflag:s16], $0x800  }
0x5a: {  	s8 =	simm.s32 $0x800;
	[sflag:s16] =	ssyncset.done $0x0  }
.LBB2_6:
0x5b: {  	[sflag:s16] =	ssyncadd.s32 $0xFFFFF800;
	s5 =	sadd.s32 $0x4000, s5;
	s0 =	sadd.s32 $0x10000, s0  }
0x5c: {  	s9 =	sadd.s32 s8, s14;
	p0 =	sne.s32 s8, $0x9000;
	_ =	swait.ge [sflag:s20], $0x4000  }
0x5d: {  	s10 =	sand.u32 $0x4000, s5;
	s11 =	sshrl.u32 s0, $0x2;
	[sflag:s20] =	ssyncset.done $0x0  }
0x5e: {  	s10 =	sor.u32 $0x2800, s10;
	s11 =	sand.u32 $0x4000, s11;
	[sflag:s20] =	ssyncadd.s32 $0xFFFFC000  }
0x5f: {  	[tilespmem:s10], [sflag:$0x1] =	stream.linear.gather [hbm4b:s9+s4], $0x4000, $0x38;
	[tilespmem:$0x1A000] =	vst v63  }
0x60: {  	s9 =	sor.u32 $0x2800, s11;
	s10 =	sshra.s32 s8, $0x2;
	s8 =	sadd.s32 $0x800, s8  }
0x61: {  	[spmem:s2] =	stream.indirect.scatter.add.f32 [tilespmem:s9], [sflag:$0x2], $0x20, s10, s21, $0xb8;
	[tilespmem:$0x1A000] =	vst v63  }
0x62: {  	_ =	swait.ge [sflag:s16], $0x1000  }
0x63: {  	[sflag:s16] =	ssyncset.done $0x0  }
0x64: {  	[sflag:s16] =	ssyncadd.s32 $0xFFFFF000  }
0x65: {  	[spmem:s3] =	stream.indirect.scatter.add.f32 [tilespmem:s22], [sflag:$0x2], $0x10, s10, s21, $0xb8;
	[tilespmem:$0x1A000] =	vst v63  }
0x66: {  	_ =	swait.ge [sflag:s16], $0x800  }
0x67: {  	[sflag:s16] =	ssyncset.done $0x0  }
0x68: {  	s12 =	sadd.s32 $0x80, s10;
	s9 =	sor.u32 $0x3800, s11;
	[sflag:s16] =	ssyncadd.s32 $0xFFFFF800  }
0x69: {  	[spmem:s2] =	stream.indirect.scatter.add.f32 [tilespmem:s9], [sflag:$0x2], $0x20, s12, s21, $0xb8;
	[tilespmem:$0x1A000] =	vst v63  }
0x6a: {  	_ =	swait.ge [sflag:s16], $0x1000  }
0x6b: {  	[sflag:s16] =	ssyncset.done $0x0  }
0x6c: {  	[sflag:s16] =	ssyncadd.s32 $0xFFFFF000  }
0x6d: {  	[spmem:s3] =	stream.indirect.scatter.add.f32 [tilespmem:s22], [sflag:$0x2], $0x10, s12, s21, $0xb8;
	[tilespmem:$0x1A000] =	vst v63  }
0x6e: {  	_ =	swait.ge [sflag:s16], $0x800  }
0x6f: {  	[sflag:s16] =	ssyncset.done $0x0  }
0x70: {  	s9 =	sadd.s32 $0x4800, s11;
	s12 =	sadd.s32 $0x100, s10;
	[sflag:s16] =	ssyncadd.s32 $0xFFFFF800  }
0x71: {  	[spmem:s2] =	stream.indirect.scatter.add.f32 [tilespmem:s9], [sflag:$0x2], $0x20, s12, s21, $0xb8;
	[tilespmem:$0x1A000] =	vst v63  }
0x72: {  	_ =	swait.ge [sflag:s16], $0x1000  }
0x73: {  	[sflag:s16] =	ssyncset.done $0x0  }
0x74: {  	[sflag:s16] =	ssyncadd.s32 $0xFFFFF000  }
0x75: {  	[spmem:s3] =	stream.indirect.scatter.add.f32 [tilespmem:s22], [sflag:$0x2], $0x10, s12, s21, $0xb8;
	[tilespmem:$0x1A000] =	vst v63  }
0x76: {  	_ =	swait.ge [sflag:s16], $0x800  }
0x77: {  	[sflag:s16] =	ssyncset.done $0x0  }
0x78: {  	s10 =	sadd.s32 $0x180, s10;
	s9 =	sadd.s32 $0x5800, s11;
	[sflag:s16] =	ssyncadd.s32 $0xFFFFF800  }
0x79: {  	[spmem:s2] =	stream.indirect.scatter.add.f32 [tilespmem:s9], [sflag:$0x2], $0x20, s10, s21, $0xb8;
	[tilespmem:$0x1A000] =	vst v63  }
0x7a: {  	_ =	swait.ge [sflag:s16], $0x1000  }
.Ltmp2:
0x7b: {  	[sflag:s16] =	ssyncset.done $0x0;
	(pc) =	sbr.rel @p0 .LBB2_6-.Ltmp2, $4  }
0x7c: {  	[sflag:s16] =	ssyncadd.s32 $0xFFFFF000  }
0x7d: {  	[spmem:s3] =	stream.indirect.scatter.add.f32 [tilespmem:s22], [sflag:$0x2], $0x10, s10, s21, $0xb8;
	[tilespmem:$0x1A000] =	vst v63  }
0x7e: {  	_ =	swait.ge [sflag:s16], $0x800  }
0x7f: {  	[sflag:s16] =	ssyncset.done $0x0  }
0x80: {  	[sflag:s16] =	ssyncadd.s32 $0xFFFFF800  }
0x81: {  	_ =	swait.ge [sflag:s20], $0x4000  }
0x82: {  	[sflag:s20] =	ssyncset.done $0x0  }
0x83: {  	[sflag:s20] =	ssyncadd.s32 $0xFFFFC000  }
0x84: {  	[spmem:s2] =	stream.indirect.scatter.add.f32 [tilespmem:s24], [sflag:$0x2], $0x20, s23, s21, $0xb8;
	[tilespmem:$0x1A000] =	vst v63  }
0x85: {  	_ =	swait.ge [sflag:s16], $0x1000  }
0x86: {  	[sflag:s16] =	ssyncset.done $0x0  }
0x87: {  	[sflag:s16] =	ssyncadd.s32 $0xFFFFF000  }
0x88: {  	[spmem:s3] =	stream.indirect.scatter.add.f32 [tilespmem:s22], [sflag:$0x2], $0x10, s23, s21, $0xb8;
	[tilespmem:$0x1A000] =	vst v63  }
0x89: {  	_ =	swait.ge [sflag:s16], $0x800  }
0x8a: {  	[sflag:s16] =	ssyncset.done $0x0  }
0x8b: {  	[sflag:s16] =	ssyncadd.s32 $0xFFFFF800  }
0x8c: {  	[spmem:s2] =	stream.indirect.scatter.add.f32 [tilespmem:s26], [sflag:$0x2], $0x20, s25, s21, $0xb8;
	[tilespmem:$0x1A000] =	vst v63  }
0x8d: {  	_ =	swait.ge [sflag:s16], $0x1000  }
0x8e: {  	[sflag:s16] =	ssyncset.done $0x0  }
0x8f: {  	[sflag:s16] =	ssyncadd.s32 $0xFFFFF000  }
0x90: {  	[spmem:s3] =	stream.indirect.scatter.add.f32 [tilespmem:s22], [sflag:$0x2], $0x10, s25, s21, $0xb8;
	[tilespmem:$0x1A000] =	vst v63  }
0x91: {  	_ =	swait.ge [sflag:s16], $0x800  }
0x92: {  	[sflag:s16] =	ssyncset.done $0x0  }
0x93: {  	[sflag:s16] =	ssyncadd.s32 $0xFFFFF800  }
0x94: {  	[spmem:s2] =	stream.indirect.scatter.add.f32 [tilespmem:s29], [sflag:$0x2], $0x20, s28, s21, $0xb8;
	[tilespmem:$0x1A000] =	vst v63  }
0x95: {  	_ =	swait.ge [sflag:s16], $0x1000  }
0x96: {  	[sflag:s16] =	ssyncset.done $0x0  }
0x97: {  	[sflag:s16] =	ssyncadd.s32 $0xFFFFF000  }
0x98: {  	[spmem:s3] =	stream.indirect.scatter.add.f32 [tilespmem:s22], [sflag:$0x2], $0x10, s28, s21, $0xb8;
	[tilespmem:$0x1A000] =	vst v63  }
0x99: {  	_ =	swait.ge [sflag:s16], $0x800  }
0x9a: {  	[sflag:s16] =	ssyncset.done $0x0  }
0x9b: {  	[sflag:s16] =	ssyncadd.s32 $0xFFFFF800  }
0x9c: {  	[spmem:s2] =	stream.indirect.scatter.add.f32 [tilespmem:s31], [sflag:$0x2], $0x20, s30, s21, $0xb8;
	[tilespmem:$0x1A000] =	vst v63  }
0x9d: {  	_ =	swait.ge [sflag:s16], $0x1000  }
0x9e: {  	[sflag:s16] =	ssyncset.done $0x0  }
0x9f: {  	[sflag:s16] =	ssyncadd.s32 $0xFFFFF000  }
0xa0: {  	[spmem:s3] =	stream.indirect.scatter.add.f32 [tilespmem:s22], [sflag:$0x2], $0x10, s30, s21, $0xb8;
	[tilespmem:$0x1A000] =	vst v63  }
0xa1: {  	_ =	swait.ge [sflag:s16], $0x800  }
0xa2: {  	[sflag:s16] =	ssyncset.done $0x0  }
0xa3: {  	[sflag:s16] =	ssyncadd.s32 $0xFFFFF800  }
0xa4: {  	[bflag:$0x0] =	sbarrier.arrive $0xFFFF  }
0xa5: {  	[tilespmem:s18], [sflag:$0x2] =	stream.linear.gather [spmem:s7], $0x2800, $0x38;
	[tilespmem:$0x1A000] =	vst v63  }
0xa6: {  	_ =	swait.ge [sflag:s16], $0x2800  }
0xa7: {  	[sflag:s16] =	ssyncset.done $0x0  }
0xa8: {  	s0 =	simm.s32 $0x0;
	s5 =	rddreg [dreg:$0x9];
	[sflag:s16] =	ssyncadd.s32 $0xFFFFD800  }
0xa9: {  	[hbm4b:s5+s0] =	stream.linear.scatter [tilespmem:s18], [sflag:$0x2], $0x2800, $0x38;
	[tilespmem:$0x1A000] =	vst v63  }
0xaa: {  	_ =	swait.ge [sflag:s16], $0x2800  }
0xab: {  	[sflag:s16] =	ssyncset.done $0x0  }
0xac: {  	[sflag:s16] =	ssyncadd.s32 $0xFFFFD800  }
0xad: {  	[tilespmem:s17], [sflag:$0x2] =	stream.linear.gather [spmem:s6], $0x5000, $0x38;
	[tilespmem:$0x1A000] =	vst v63  }
0xae: {  	_ =	swait.ge [sflag:s16], $0x5000  }
0xaf: {  	[sflag:s16] =	ssyncset.done $0x0  }
0xb0: {  	s12 =	rddreg [dreg:$0xa];
	[sflag:s16] =	ssyncadd.s32 $0xFFFFB000  }
0xb1: {  	[hbm4b:s12+s0] =	stream.linear.scatter [tilespmem:s17], [sflag:$0x2], $0x5000, $0x38;
	[tilespmem:$0x1A000] =	vst v63  }
0xb2: {  	_ =	swait.ge [sflag:s16], $0x5000  }
0xb3: {  	[sflag:s16] =	ssyncset.done $0x0  }
0xb4: {  	s5 =	simm.s32 $0x0;
	s0 =	simm.s32 $0x80;
	[sflag:s16] =	ssyncadd.s32 $0xFFFFB000  }
.LBB2_8:
0xb5: {  	p0 =	sne.s32 s0, $0x13F80;
	[tilespmem:s5+$0xB000] =	vst v0;
	s8 =	smov.u32 s0;
	s0 =	sadd.s32 $0x80, s0  }
.Ltmp3:
0xb6: {  	[tilespmem:s5+$0xB010] =	vst v0;
	(pc) =	sbr.rel @p0 .LBB2_8-.Ltmp3, $2  }
0xb7: {  	_ =	sdelay $0x2  }
0xb8: {  	s5 =	sshra.s32 s8, $0x2  }
0xb9: {  	[tilespmem:s5+$0xB000] =	vst v0  }
0xba: {  	[tilespmem:s5+$0xB010] =	vst v0  }
0xbb: {  	[spmem:s6] =	stream.linear.scatter [tilespmem:s17], [sflag:$0x2], $0x5000, $0x38;
	[tilespmem:$0x1A000] =	vst v63  }
0xbc: {  	_ =	swait.ge [sflag:s16], $0x5000  }
0xbd: {  	[sflag:s16] =	ssyncset.done $0x0  }
0xbe: {  	[sflag:s16] =	ssyncadd.s32 $0xFFFFB000  }
0xbf: {  	[bflag:$0x0] =	sbarrier.arrive $0xFFFF  }
0xc0: {  	s0 =	simm.s32 $0x0;
	s10 =	rddreg [dreg:$0x7]  }
0xc1: {  	[tilespmem:s19], [sflag:$0x1] =	stream.linear.gather [hbm4b:s10+s0], $0x4000, $0x38;
	[tilespmem:$0x1A000] =	vst v63  }
0xc2: {  	s5 =	simm.s32 $0x4000;
	s8 =	sadd.s32 $0x0, s15;
	_ =	swait.ge [sflag:s20], $0x4000  }
0xc3: {  	s9 =	sand.u32 $0x4000, s5;
	s10 =	simm.s32 $0x0;
	[sflag:s20] =	ssyncset.done $0x0  }
0xc4: {  	s9 =	sor.u32 $0x2800, s9;
	s10 =	sand.u32 $0x4000, s10;
	[sflag:s20] =	ssyncadd.s32 $0xFFFFC000  }
0xc5: {  	[tilespmem:s9], [sflag:$0x1] =	stream.linear.gather [hbm4b:s8+s4], $0x4000, $0x38;
	[tilespmem:$0x1A000] =	vst v63  }
0xc6: {  	s12 =	simm.s32 $0x0;
	s11 =	sor.u32 $0x2800, s10  }
0xc7: {  	[spmem:s2] =	stream.indirect.scatter.add.f32 [tilespmem:s11], [sflag:$0x2], $0x20, s12, s21, $0xb8;
	[tilespmem:$0x1A000] =	vst v63  }
0xc8: {  	_ =	swait.ge [sflag:s16], $0x1000  }
0xc9: {  	[sflag:s16] =	ssyncset.done $0x0  }
0xca: {  	s11 =	sor.u32 $0x3800, s10;
	s12 =	simm.s32 $0x80;
	[sflag:s16] =	ssyncadd.s32 $0xFFFFF000  }
0xcb: {  	[spmem:s2] =	stream.indirect.scatter.add.f32 [tilespmem:s11], [sflag:$0x2], $0x20, s12, s21, $0xb8;
	[tilespmem:$0x1A000] =	vst v63  }
0xcc: {  	_ =	swait.ge [sflag:s16], $0x1000  }
0xcd: {  	[sflag:s16] =	ssyncset.done $0x0  }
0xce: {  	s11 =	sadd.s32 $0x4800, s10;
	s12 =	simm.s32 $0x100;
	[sflag:s16] =	ssyncadd.s32 $0xFFFFF000  }
0xcf: {  	[spmem:s2] =	stream.indirect.scatter.add.f32 [tilespmem:s11], [sflag:$0x2], $0x20, s12, s21, $0xb8;
	[tilespmem:$0x1A000] =	vst v63  }
0xd0: {  	_ =	swait.ge [sflag:s16], $0x1000  }
0xd1: {  	[sflag:s16] =	ssyncset.done $0x0  }
0xd2: {  	s11 =	sadd.s32 $0x5800, s10;
	s12 =	simm.s32 $0x180;
	[sflag:s16] =	ssyncadd.s32 $0xFFFFF000  }
0xd3: {  	[spmem:s2] =	stream.indirect.scatter.add.f32 [tilespmem:s11], [sflag:$0x2], $0x20, s12, s21, $0xb8;
	[tilespmem:$0x1A000] =	vst v63  }
0xd4: {  	_ =	swait.ge [sflag:s16], $0x1000  }
0xd5: {  	s8 =	simm.s32 $0x800;
	[sflag:s16] =	ssyncset.done $0x0  }
.LBB2_10:
0xd6: {  	[sflag:s16] =	ssyncadd.s32 $0xFFFFF000;
	s5 =	sadd.s32 $0x4000, s5;
	s0 =	sadd.s32 $0x10000, s0  }
0xd7: {  	s9 =	sadd.s32 s8, s15;
	p0 =	sne.s32 s8, $0x9000;
	_ =	swait.ge [sflag:s20], $0x4000  }
0xd8: {  	s10 =	sand.u32 $0x4000, s5;
	s11 =	sshrl.u32 s0, $0x2;
	[sflag:s20] =	ssyncset.done $0x0  }
0xd9: {  	s10 =	sor.u32 $0x2800, s10;
	s11 =	sand.u32 $0x4000, s11;
	[sflag:s20] =	ssyncadd.s32 $0xFFFFC000  }
0xda: {  	[tilespmem:s10], [sflag:$0x1] =	stream.linear.gather [hbm4b:s9+s4], $0x4000, $0x38;
	[tilespmem:$0x1A000] =	vst v63  }
0xdb: {  	s9 =	sor.u32 $0x2800, s11;
	s10 =	sshra.s32 s8, $0x2;
	s8 =	sadd.s32 $0x800, s8  }
0xdc: {  	[spmem:s2] =	stream.indirect.scatter.add.f32 [tilespmem:s9], [sflag:$0x2], $0x20, s10, s21, $0xb8;
	[tilespmem:$0x1A000] =	vst v63  }
0xdd: {  	_ =	swait.ge [sflag:s16], $0x1000  }
0xde: {  	[sflag:s16] =	ssyncset.done $0x0  }
0xdf: {  	s12 =	sadd.s32 $0x80, s10;
	s9 =	sor.u32 $0x3800, s11;
	[sflag:s16] =	ssyncadd.s32 $0xFFFFF000  }
0xe0: {  	[spmem:s2] =	stream.indirect.scatter.add.f32 [tilespmem:s9], [sflag:$0x2], $0x20, s12, s21, $0xb8;
	[tilespmem:$0x1A000] =	vst v63  }
0xe1: {  	_ =	swait.ge [sflag:s16], $0x1000  }
0xe2: {  	[sflag:s16] =	ssyncset.done $0x0  }
0xe3: {  	s9 =	sadd.s32 $0x4800, s11;
	s12 =	sadd.s32 $0x100, s10;
	[sflag:s16] =	ssyncadd.s32 $0xFFFFF000  }
0xe4: {  	[spmem:s2] =	stream.indirect.scatter.add.f32 [tilespmem:s9], [sflag:$0x2], $0x20, s12, s21, $0xb8;
	[tilespmem:$0x1A000] =	vst v63  }
0xe5: {  	_ =	swait.ge [sflag:s16], $0x1000  }
.Ltmp4:
0xe6: {  	[sflag:s16] =	ssyncset.done $0x0;
	(pc) =	sbr.rel @p0 .LBB2_10-.Ltmp4, $4  }
0xe7: {  	s10 =	sadd.s32 $0x180, s10;
	s9 =	sadd.s32 $0x5800, s11;
	[sflag:s16] =	ssyncadd.s32 $0xFFFFF000  }
0xe8: {  	[spmem:s2] =	stream.indirect.scatter.add.f32 [tilespmem:s9], [sflag:$0x2], $0x20, s10, s21, $0xb8;
	[tilespmem:$0x1A000] =	vst v63  }
0xe9: {  	_ =	swait.ge [sflag:s16], $0x1000  }
0xea: {  	[sflag:s16] =	ssyncset.done $0x0  }
0xeb: {  	[sflag:s16] =	ssyncadd.s32 $0xFFFFF000  }
0xec: {  	_ =	swait.ge [sflag:s20], $0x4000  }
0xed: {  	[sflag:s20] =	ssyncset.done $0x0  }
0xee: {  	[sflag:s20] =	ssyncadd.s32 $0xFFFFC000  }
0xef: {  	[spmem:s2] =	stream.indirect.scatter.add.f32 [tilespmem:s24], [sflag:$0x2], $0x20, s23, s21, $0xb8;
	[tilespmem:$0x1A000] =	vst v63  }
0xf0: {  	_ =	swait.ge [sflag:s16], $0x1000  }
0xf1: {  	[sflag:s16] =	ssyncset.done $0x0  }
0xf2: {  	[sflag:s16] =	ssyncadd.s32 $0xFFFFF000  }
0xf3: {  	[spmem:s2] =	stream.indirect.scatter.add.f32 [tilespmem:s26], [sflag:$0x2], $0x20, s25, s21, $0xb8;
	[tilespmem:$0x1A000] =	vst v63  }
0xf4: {  	_ =	swait.ge [sflag:s16], $0x1000  }
0xf5: {  	[sflag:s16] =	ssyncset.done $0x0  }
0xf6: {  	[sflag:s16] =	ssyncadd.s32 $0xFFFFF000  }
0xf7: {  	[spmem:s2] =	stream.indirect.scatter.add.f32 [tilespmem:s29], [sflag:$0x2], $0x20, s28, s21, $0xb8;
	[tilespmem:$0x1A000] =	vst v63  }
0xf8: {  	_ =	swait.ge [sflag:s16], $0x1000  }
0xf9: {  	[sflag:s16] =	ssyncset.done $0x0  }
0xfa: {  	[sflag:s16] =	ssyncadd.s32 $0xFFFFF000  }
0xfb: {  	[spmem:s2] =	stream.indirect.scatter.add.f32 [tilespmem:s31], [sflag:$0x2], $0x20, s30, s21, $0xb8;
	[tilespmem:$0x1A000] =	vst v63  }
0xfc: {  	_ =	swait.ge [sflag:s16], $0x1000  }
0xfd: {  	[sflag:s16] =	ssyncset.done $0x0  }
0xfe: {  	[sflag:s16] =	ssyncadd.s32 $0xFFFFF000  }
0xff: {  	[bflag:$0x0] =	sbarrier.arrive $0xFFFF  }
0x100: {  	[tilespmem:s17], [sflag:$0x2] =	stream.linear.gather [spmem:s6], $0x5000, $0x38;
	[tilespmem:$0x1A000] =	vst v63  }
0x101: {  	_ =	swait.ge [sflag:s16], $0x5000  }
0x102: {  	[sflag:s16] =	ssyncset.done $0x0  }
0x103: {  	[sflag:s16] =	ssyncadd.s32 $0xFFFFB000  }
0x104: {  	[hbm4b:s13+s4] =	stream.linear.scatter [tilespmem:s17], [sflag:$0x2], $0x5000, $0x38;
	[tilespmem:$0x1A000] =	vst v63  }
0x105: {  	_ =	swait.ge [sflag:s16], $0x5000  }
0x106: {  	s1 =	sadd.s32 $0x1, s1;
	s0 =	rddreg [dreg:$0x8]  }
0x107: {  	p0 =	sne.s32 s1, s0  }
.Ltmp5:
0x108: {  	_ = 	snop;
	(pc) =	sbr.rel @p0 .LBB2_1-.Ltmp5, $3  }
0x109: {  	_ =	sdelay $0x1  }
0x10a: {  	[sflag:s16] =	ssyncset.done $0x0  }
0x10b: {  	[sflag:s16] =	ssyncadd.s32 $0xFFFFB000  }
0x10c: {  	_ =	sfence.sel $0x180000  }
0x10d: {  	[bflag:$0x0] =	sbarrier.arrive $0xFFFF  }
0x10e: {  	_ =	strace $0x9000004A  }
0x10f: {  	s0 =	stileid.u32;
	[bflag:$0x2] =	sbarrier.arrive $0xFFFF  }
0x110: {  	p0 =	sne.s32 s0, $0x0;
	s0 =	rddreg [dreg:$0x4]  }
0x111: {  	s0 =	sadd.s32 @!p0 $0x100000, s0  }
0x112: {  	[sflag:s0] =	ssyncadd.tile.s32 @!p0 $0x1;
	_ =	shalt  }
.Lfunc_end2:
_tile_overlayer_lowered:
.L_overlay_start_2:
0x113: {  	(tag) =	ssettag $0x2  }
0x114: {  	s0 =	rddreg [dreg:$0x0];
	s2 =	stileid.u32  }
0x115: {  	s1 =	rddreg [dreg:$0x1];
	p0 =	sne.s32 s2, $0x0  }
0x116: {  	s3 =	rddreg [dreg:$0x2];
	[bflag:$0x3] =	sbarrier.arrive $0xFFFF;
	s2 =	simm.s32 @!p0 $0x1C02  }
0x117: {  	[timem:s3], [sflag:s2] =	dma.local @!p0 [hbm:s0], s1  }
0x118: {  	s0 =	simm.s32 @!p0 $0x2  }
0x119: {  	_ =	swait.ge @!p0 [sflag:s0], s1  }
0x11a: {  	s1 =	ssub.s32 @!p0 $0x0, s1;
	[sflag:s0] =	ssyncset.done @!p0 $0x0  }
0x11b: {  	[sflag:s0] =	ssyncadd.s32 @!p0 s1  }
0x11c: {  	[bflag:$0x3] =	sbarrier.arrive $0xFFFF  }
0x11d: {  	_ =	shalt  }

</sc_bundles>
